<compile_context>
chip_gen: v7x
topology: tpu7x:2x2x1
jax: 0.10.2.dev20260603
libtpu: 0.0.44.dev20260713+nightly
codegen_flags: <defaults>
</compile_context>

<pallas_src>
import jax
import jax.numpy as jnp
from jax import lax
from jax.experimental import pallas as pl
from jax.experimental.pallas import tpu as pltpu
from jax.experimental.pallas import tpu_sc as plsc

_N_NODES = 100000
_N_GRAPHS = 256
_BLK = 12800
_GRID = 8
_N_PAD = _GRID * _BLK

_NW = 16
_PER_W = _N_PAD // _NW
_BINS = 272
_LANES = 16


def _mlp_body(x_ref, W1_ref, b1_ref, W2_ref, b2_ref, y_ref):
    i = pl.program_id(0)
    row = jax.lax.broadcasted_iota(jnp.int32, (_BLK, 1), 0) + i * _BLK
    x = jnp.where(row < _N_NODES, x_ref[...], 0.0).astype(jnp.bfloat16)
    h = jnp.dot(x, W1_ref[...].astype(jnp.bfloat16),
                preferred_element_type=jnp.float32)
    h = jnp.maximum(h + b1_ref[...], 0.0).astype(jnp.bfloat16)
    y = jnp.dot(h, W2_ref[...].astype(jnp.bfloat16),
                preferred_element_type=jnp.float32)
    y = y + b2_ref[...]
    y_ref[...] = y.reshape(1, 1, _BLK)


def _seg_mean_kernel(y_hbm, ids_hbm, out_hbm, ids_v, y_v, sums_v, cnts_v,
                     pair_v, mean_v, shared_t):
    wid = lax.axis_index("s")
    base = wid * _PER_W
    pltpu.sync_copy(ids_hbm.at[pl.ds(base, _PER_W)], ids_v)
    pltpu.sync_copy(y_hbm.at[pl.ds(base, _PER_W)], y_v)

    zeros = jnp.zeros((_LANES,), jnp.float32)
    ones = jnp.ones((_LANES,), jnp.float32)
    for k in range(_BINS // _LANES):
        sums_v[pl.ds(k * _LANES, _LANES)] = zeros
        cnts_v[pl.ds(k * _LANES, _LANES)] = zeros

    def body(k, _):
        idv = ids_v[pl.ds(k * _LANES, _LANES)]
        yv = y_v[pl.ds(k * _LANES, _LANES)]
        plsc.addupdate_scatter(sums_v, [idv], yv)
        plsc.addupdate_scatter(cnts_v, [idv], ones)
        return _

    lax.fori_loop(0, _PER_W // _LANES, body, None)

    for j in range(_NW):
        pair_v[pl.ds(0, _LANES)] = sums_v[pl.ds(j * _LANES, _LANES)]
        pair_v[pl.ds(_LANES, _LANES)] = cnts_v[pl.ds(j * _LANES, _LANES)]
        pltpu.sync_copy(pair_v, shared_t.at[j, wid])
    plsc.subcore_barrier()

    s = jnp.zeros((_LANES,), jnp.float32)
    c = jnp.zeros((_LANES,), jnp.float32)
    for r in range(_NW):
        pltpu.sync_copy(shared_t.at[wid, r], pair_v)
        s = s + pair_v[pl.ds(0, _LANES)]
        c = c + pair_v[pl.ds(_LANES, _LANES)]
    mean_v[...] = s / jnp.maximum(c, 1.0)
    pltpu.sync_copy(mean_v, out_hbm.at[pl.ds(wid * _LANES, _LANES)])


def _seg_mean(y8, ids_p):
    import functools
    mesh = plsc.VectorSubcoreMesh(core_axis_name="c", subcore_axis_name="s",
                                  num_cores=1)
    kern = functools.partial(
        pl.kernel, mesh=mesh,
        compiler_params=pltpu.CompilerParams(needs_layout_passes=False),
        out_type=jax.ShapeDtypeStruct((_N_GRAPHS,), jnp.float32),
        scratch_types=[
            pltpu.VMEM((_PER_W,), jnp.int32),
            pltpu.VMEM((_PER_W,), jnp.float32),
            pltpu.VMEM((_BINS,), jnp.float32),
            pltpu.VMEM((_BINS,), jnp.float32),
            pltpu.VMEM((2 * _LANES,), jnp.float32),
            pltpu.VMEM((_LANES,), jnp.float32),
            pltpu.VMEM_SHARED((_NW, _NW, 2 * _LANES), jnp.float32),
        ],
    )(_seg_mean_kernel)
    return kern(y8, ids_p)


def kernel(x, W1, b1, W2, b2, batch):
    ids_p = jnp.pad(batch.astype(jnp.int32), (0, _N_PAD - _N_NODES),
                    constant_values=_N_GRAPHS)
    y8 = pl.pallas_call(
        _mlp_body,
        grid=(_GRID,),
        in_specs=[
            pl.BlockSpec((_BLK, x.shape[1]), lambda i: (i, 0)),
            pl.BlockSpec(W1.shape, lambda i: (0, 0)),
            pl.BlockSpec(b1.shape, lambda i: (0,)),
            pl.BlockSpec(W2.shape, lambda i: (0, 0)),
            pl.BlockSpec(b2.shape, lambda i: (0,)),
        ],
        out_specs=pl.BlockSpec((1, 1, _BLK), lambda i: (i, 0, 0)),
        out_shape=jax.ShapeDtypeStruct((_GRID, 1, _BLK), jnp.float32),
        compiler_params=pltpu.CompilerParams(
            dimension_semantics=("arbitrary",)),
    )(x, W1, b1, W2, b2)
    out = _seg_mean(y8.reshape(-1), ids_p)
    return out.reshape(_N_GRAPHS, 1)

# --- scband reference (transcript-rebuilt; emitter-appended) ---
"""Pipeline reference for scband-net-10359461118635 (READ-ONLY COPY).

The authoritative reference and input builder live on the scoring server;
editing this copy changes nothing except your own understanding.
"""

import jax, jax.numpy as jnp
import numpy as np

N_NODES = 100000
N_GRAPHS = 256
D_IN = 10
D_HIDDEN = 512

def setup_inputs(seed: int = 0) -> dict:
    key = jax.random.key(seed)
    k_x, k_b, k_w1, k_b1, k_w2, k_b2 = jax.random.split(key, 6)
    x = jax.random.normal(k_x, (N_NODES, D_IN), dtype=jnp.float32)
    batch = jnp.sort(jax.random.randint(k_b, (N_NODES,), 0, N_GRAPHS, dtype=jnp.int64))
    # luz.Dense(10, d_hidden, 1): Linear(10->d_hidden) + nonlinearity + Linear(d_hidden->1)
    W1 = jax.random.normal(k_w1, (D_IN, D_HIDDEN), dtype=jnp.float32) * (1.0 / np.sqrt(D_IN))
    b1 = jnp.zeros((D_HIDDEN,), dtype=jnp.float32)
    W2 = jax.random.normal(k_w2, (D_HIDDEN, 1), dtype=jnp.float32) * (1.0 / np.sqrt(D_HIDDEN))
    b2 = jnp.zeros((1,), dtype=jnp.float32)
    return {"x": x, "W1": W1, "b1": b1, "W2": W2, "b2": b2, "batch": batch}

def reference(x, W1, b1, W2, b2, batch):
    # luz.Dense forward: Linear -> activation -> Linear
    h = jax.nn.relu(x @ W1 + b1)
    y = h @ W2 + b2  # [N, 1]
    # luz.batchwise_node_mean: per-graph mean over nodes (segment mean)
    sums = jax.ops.segment_sum(y, batch, num_segments=N_GRAPHS)
    counts = jax.ops.segment_sum(jnp.ones((y.shape[0], 1), dtype=y.dtype), batch, num_segments=N_GRAPHS)
    return sums / jnp.maximum(counts, 1.0)

if __name__ == "__main__":
    import jax
    _d = setup_inputs()
    print(jax.jit(kernel)(*tuple(_d.values())))

</pallas_src>

<mosaic_0001>
#map = affine_map<(d0, d1) -> (0)>
module attributes {stable_mosaic.version = 14 : i64} {
  func.func @_seg_mean_kernel(%arg0: i32, %arg1: i32, %arg2: memref<102400xf32, #tpu.memory_space<hbm>>, %arg3: memref<102400xi32, #tpu.memory_space<hbm>>, %arg4: memref<256xf32, #tpu.memory_space<hbm>>, %arg5: memref<6400xi32, #tpu.memory_space<vmem>>, %arg6: memref<6400xf32, #tpu.memory_space<vmem>>, %arg7: memref<272xf32, #tpu.memory_space<vmem>>, %arg8: memref<272xf32, #tpu.memory_space<vmem>>, %arg9: memref<32xf32, #tpu.memory_space<vmem>>, %arg10: memref<16xf32, #tpu.memory_space<vmem>>, %arg11: memref<16x16x32xf32, #tpu.memory_space<vmem_shared>>) attributes {dimension_semantics = [#tpu.dimension_semantics<core_parallel>, #tpu.dimension_semantics<subcore_parallel>], iteration_bounds = array<i64: 1, 16>, scalar_prefetch = 0 : i64, scratch_operands = 7 : i64, tpu.core_type = #tpu.core_type<sc_vector_subcore>, window_params = [{transform_indices = #map}, {transform_indices = #map}, {transform_indices = #map}]} {
    %mul3A = arith.constant 6400 : i32
    %mul3A_0 = arith.muli %arg1, %mul3A : i32
    "tpu.region"() ({
      %run_scoped3A_338 = tpu.sem_alloc : memref<!tpu.dma_semaphore, #tpu.memory_space<semaphore_mem>>
      %dma_start3A = tpu.memref_slice %arg3[%mul3A_0] : memref<102400xi32, #tpu.memory_space<hbm>> -> memref<6400xi32, #tpu.memory_space<hbm>>
      %dma_start3A_339 = tpu.memref_slice %arg3[%mul3A_0] : memref<102400xi32, #tpu.memory_space<hbm>> -> memref<6400xi32, #tpu.memory_space<hbm>>
      tpu.enqueue_dma source(%dma_start3A_339 : memref<6400xi32, #tpu.memory_space<hbm>>) target(%arg5 : memref<6400xi32, #tpu.memory_space<vmem>>) target_semaphore(%run_scoped3A_338 : memref<!tpu.dma_semaphore, #tpu.memory_space<semaphore_mem>>)
      %dma_wait3A = tpu.memref_slice %arg3[%mul3A_0] : memref<102400xi32, #tpu.memory_space<hbm>> -> memref<6400xi32, #tpu.memory_space<hbm>>
      %dma_wait3A_340 = tpu.memref_slice %arg3[%mul3A_0] : memref<102400xi32, #tpu.memory_space<hbm>> -> memref<6400xi32, #tpu.memory_space<hbm>>
      tpu.wait_dma2 semaphore(%run_scoped3A_338 : memref<!tpu.dma_semaphore, #tpu.memory_space<semaphore_mem>>) src(%dma_wait3A_340 : memref<6400xi32, #tpu.memory_space<hbm>>) dst(%arg5 : memref<6400xi32, #tpu.memory_space<vmem>>)
      tpu.yield
    }) : () -> ()
    "tpu.region"() ({
      %run_scoped3A_338 = tpu.sem_alloc : memref<!tpu.dma_semaphore, #tpu.memory_space<semaphore_mem>>
      %dma_start3A = tpu.memref_slice %arg2[%mul3A_0] : memref<102400xf32, #tpu.memory_space<hbm>> -> memref<6400xf32, #tpu.memory_space<hbm>>
      %dma_start3A_339 = tpu.memref_slice %arg2[%mul3A_0] : memref<102400xf32, #tpu.memory_space<hbm>> -> memref<6400xf32, #tpu.memory_space<hbm>>
      tpu.enqueue_dma source(%dma_start3A_339 : memref<6400xf32, #tpu.memory_space<hbm>>) target(%arg6 : memref<6400xf32, #tpu.memory_space<vmem>>) target_semaphore(%run_scoped3A_338 : memref<!tpu.dma_semaphore, #tpu.memory_space<semaphore_mem>>)
      %dma_wait3A = tpu.memref_slice %arg2[%mul3A_0] : memref<102400xf32, #tpu.memory_space<hbm>> -> memref<6400xf32, #tpu.memory_space<hbm>>
      %dma_wait3A_340 = tpu.memref_slice %arg2[%mul3A_0] : memref<102400xf32, #tpu.memory_space<hbm>> -> memref<6400xf32, #tpu.memory_space<hbm>>
      tpu.wait_dma2 semaphore(%run_scoped3A_338 : memref<!tpu.dma_semaphore, #tpu.memory_space<semaphore_mem>>) src(%dma_wait3A_340 : memref<6400xf32, #tpu.memory_space<hbm>>) dst(%arg6 : memref<6400xf32, #tpu.memory_space<vmem>>)
      tpu.yield
    }) : () -> ()
    %broadcast_in_dim3A = arith.constant 0.000000e+00 : f32
    %broadcast_in_dim3A_1 = vector.broadcast %broadcast_in_dim3A : f32 to vector<16xf32>
    %broadcast_in_dim3A_2 = arith.constant 1.000000e+00 : f32
    %broadcast_in_dim3A_3 = vector.broadcast %broadcast_in_dim3A_2 : f32 to vector<16xf32>
    %swap3A = arith.constant 0 : index
    %swap3A_4 = tpu.vector_load %arg7[%swap3A] {strides = array<i32>} : memref<272xf32, #tpu.memory_space<vmem>>, vector<16xf32>,
    tpu.vector_store %arg7[%swap3A], %broadcast_in_dim3A_1 {strides = array<i32>} : memref<272xf32, #tpu.memory_space<vmem>>, vector<16xf32>,
    %swap3A_5 = arith.constant 0 : index
    %swap3A_6 = tpu.vector_load %arg8[%swap3A_5] {strides = array<i32>} : memref<272xf32, #tpu.memory_space<vmem>>, vector<16xf32>,
    tpu.vector_store %arg8[%swap3A_5], %broadcast_in_dim3A_1 {strides = array<i32>} : memref<272xf32, #tpu.memory_space<vmem>>, vector<16xf32>,
    %swap3A_7 = arith.constant 16 : index
    %swap3A_8 = tpu.vector_load %arg7[%swap3A_7] {strides = array<i32>} : memref<272xf32, #tpu.memory_space<vmem>>, vector<16xf32>,
    tpu.vector_store %arg7[%swap3A_7], %broadcast_in_dim3A_1 {strides = array<i32>} : memref<272xf32, #tpu.memory_space<vmem>>, vector<16xf32>,
    %swap3A_9 = arith.constant 16 : index
    %swap3A_10 = tpu.vector_load %arg8[%swap3A_9] {strides = array<i32>} : memref<272xf32, #tpu.memory_space<vmem>>, vector<16xf32>,
    tpu.vector_store %arg8[%swap3A_9], %broadcast_in_dim3A_1 {strides = array<i32>} : memref<272xf32, #tpu.memory_space<vmem>>, vector<16xf32>,
    %swap3A_11 = arith.constant 32 : index
    %swap3A_12 = tpu.vector_load %arg7[%swap3A_11] {strides = array<i32>} : memref<272xf32, #tpu.memory_space<vmem>>, vector<16xf32>,
    tpu.vector_store %arg7[%swap3A_11], %broadcast_in_dim3A_1 {strides = array<i32>} : memref<272xf32, #tpu.memory_space<vmem>>, vector<16xf32>,
    %swap3A_13 = arith.constant 32 : index
    %swap3A_14 = tpu.vector_load %arg8[%swap3A_13] {strides = array<i32>} : memref<272xf32, #tpu.memory_space<vmem>>, vector<16xf32>,
    tpu.vector_store %arg8[%swap3A_13], %broadcast_in_dim3A_1 {strides = array<i32>} : memref<272xf32, #tpu.memory_space<vmem>>, vector<16xf32>,
    %swap3A_15 = arith.constant 48 : index
    %swap3A_16 = tpu.vector_load %arg7[%swap3A_15] {strides = array<i32>} : memref<272xf32, #tpu.memory_space<vmem>>, vector<16xf32>,
    tpu.vector_store %arg7[%swap3A_15], %broadcast_in_dim3A_1 {strides = array<i32>} : memref<272xf32, #tpu.memory_space<vmem>>, vector<16xf32>,
    %swap3A_17 = arith.constant 48 : index
    %swap3A_18 = tpu.vector_load %arg8[%swap3A_17] {strides = array<i32>} : memref<272xf32, #tpu.memory_space<vmem>>, vector<16xf32>,
    tpu.vector_store %arg8[%swap3A_17], %broadcast_in_dim3A_1 {strides = array<i32>} : memref<272xf32, #tpu.memory_space<vmem>>, vector<16xf32>,
    %swap3A_19 = arith.constant 64 : index
    %swap3A_20 = tpu.vector_load %arg7[%swap3A_19] {strides = array<i32>} : memref<272xf32, #tpu.memory_space<vmem>>, vector<16xf32>,
    tpu.vector_store %arg7[%swap3A_19], %broadcast_in_dim3A_1 {strides = array<i32>} : memref<272xf32, #tpu.memory_space<vmem>>, vector<16xf32>,
    %swap3A_21 = arith.constant 64 : index
    %swap3A_22 = tpu.vector_load %arg8[%swap3A_21] {strides = array<i32>} : memref<272xf32, #tpu.memory_space<vmem>>, vector<16xf32>,
    tpu.vector_store %arg8[%swap3A_21], %broadcast_in_dim3A_1 {strides = array<i32>} : memref<272xf32, #tpu.memory_space<vmem>>, vector<16xf32>,
    %swap3A_23 = arith.constant 80 : index
    %swap3A_24 = tpu.vector_load %arg7[%swap3A_23] {strides = array<i32>} : memref<272xf32, #tpu.memory_space<vmem>>, vector<16xf32>,
    tpu.vector_store %arg7[%swap3A_23], %broadcast_in_dim3A_1 {strides = array<i32>} : memref<272xf32, #tpu.memory_space<vmem>>, vector<16xf32>,
    %swap3A_25 = arith.constant 80 : index
    %swap3A_26 = tpu.vector_load %arg8[%swap3A_25] {strides = array<i32>} : memref<272xf32, #tpu.memory_space<vmem>>, vector<16xf32>,
    tpu.vector_store %arg8[%swap3A_25], %broadcast_in_dim3A_1 {strides = array<i32>} : memref<272xf32, #tpu.memory_space<vmem>>, vector<16xf32>,
    %swap3A_27 = arith.constant 96 : index
    %swap3A_28 = tpu.vector_load %arg7[%swap3A_27] {strides = array<i32>} : memref<272xf32, #tpu.memory_space<vmem>>, vector<16xf32>,
    tpu.vector_store %arg7[%swap3A_27], %broadcast_in_dim3A_1 {strides = array<i32>} : memref<272xf32, #tpu.memory_space<vmem>>, vector<16xf32>,
    %swap3A_29 = arith.constant 96 : index
    %swap3A_30 = tpu.vector_load %arg8[%swap3A_29] {strides = array<i32>} : memref<272xf32, #tpu.memory_space<vmem>>, vector<16xf32>,
    tpu.vector_store %arg8[%swap3A_29], %broadcast_in_dim3A_1 {strides = array<i32>} : memref<272xf32, #tpu.memory_space<vmem>>, vector<16xf32>,
    %swap3A_31 = arith.constant 112 : index
    %swap3A_32 = tpu.vector_load %arg7[%swap3A_31] {strides = array<i32>} : memref<272xf32, #tpu.memory_space<vmem>>, vector<16xf32>,
    tpu.vector_store %arg7[%swap3A_31], %broadcast_in_dim3A_1 {strides = array<i32>} : memref<272xf32, #tpu.memory_space<vmem>>, vector<16xf32>,
    %swap3A_33 = arith.constant 112 : index
    %swap3A_34 = tpu.vector_load %arg8[%swap3A_33] {strides = array<i32>} : memref<272xf32, #tpu.memory_space<vmem>>, vector<16xf32>,
    tpu.vector_store %arg8[%swap3A_33], %broadcast_in_dim3A_1 {strides = array<i32>} : memref<272xf32, #tpu.memory_space<vmem>>, vector<16xf32>,
    %swap3A_35 = arith.constant 128 : index
    %swap3A_36 = tpu.vector_load %arg7[%swap3A_35] {strides = array<i32>} : memref<272xf32, #tpu.memory_space<vmem>>, vector<16xf32>,
    tpu.vector_store %arg7[%swap3A_35], %broadcast_in_dim3A_1 {strides = array<i32>} : memref<272xf32, #tpu.memory_space<vmem>>, vector<16xf32>,
    %swap3A_37 = arith.constant 128 : index
    %swap3A_38 = tpu.vector_load %arg8[%swap3A_37] {strides = array<i32>} : memref<272xf32, #tpu.memory_space<vmem>>, vector<16xf32>,
    tpu.vector_store %arg8[%swap3A_37], %broadcast_in_dim3A_1 {strides = array<i32>} : memref<272xf32, #tpu.memory_space<vmem>>, vector<16xf32>,
    %swap3A_39 = arith.constant 144 : index
    %swap3A_40 = tpu.vector_load %arg7[%swap3A_39] {strides = array<i32>} : memref<272xf32, #tpu.memory_space<vmem>>, vector<16xf32>,
    tpu.vector_store %arg7[%swap3A_39], %broadcast_in_dim3A_1 {strides = array<i32>} : memref<272xf32, #tpu.memory_space<vmem>>, vector<16xf32>,
    %swap3A_41 = arith.constant 144 : index
    %swap3A_42 = tpu.vector_load %arg8[%swap3A_41] {strides = array<i32>} : memref<272xf32, #tpu.memory_space<vmem>>, vector<16xf32>,
    tpu.vector_store %arg8[%swap3A_41], %broadcast_in_dim3A_1 {strides = array<i32>} : memref<272xf32, #tpu.memory_space<vmem>>, vector<16xf32>,
    %swap3A_43 = arith.constant 160 : index
    %swap3A_44 = tpu.vector_load %arg7[%swap3A_43] {strides = array<i32>} : memref<272xf32, #tpu.memory_space<vmem>>, vector<16xf32>,
    tpu.vector_store %arg7[%swap3A_43], %broadcast_in_dim3A_1 {strides = array<i32>} : memref<272xf32, #tpu.memory_space<vmem>>, vector<16xf32>,
    %swap3A_45 = arith.constant 160 : index
    %swap3A_46 = tpu.vector_load %arg8[%swap3A_45] {strides = array<i32>} : memref<272xf32, #tpu.memory_space<vmem>>, vector<16xf32>,
    tpu.vector_store %arg8[%swap3A_45], %broadcast_in_dim3A_1 {strides = array<i32>} : memref<272xf32, #tpu.memory_space<vmem>>, vector<16xf32>,
    %swap3A_47 = arith.constant 176 : index
    %swap3A_48 = tpu.vector_load %arg7[%swap3A_47] {strides = array<i32>} : memref<272xf32, #tpu.memory_space<vmem>>, vector<16xf32>,
    tpu.vector_store %arg7[%swap3A_47], %broadcast_in_dim3A_1 {strides = array<i32>} : memref<272xf32, #tpu.memory_space<vmem>>, vector<16xf32>,
    %swap3A_49 = arith.constant 176 : index
    %swap3A_50 = tpu.vector_load %arg8[%swap3A_49] {strides = array<i32>} : memref<272xf32, #tpu.memory_space<vmem>>, vector<16xf32>,
    tpu.vector_store %arg8[%swap3A_49], %broadcast_in_dim3A_1 {strides = array<i32>} : memref<272xf32, #tpu.memory_space<vmem>>, vector<16xf32>,
    %swap3A_51 = arith.constant 192 : index
    %swap3A_52 = tpu.vector_load %arg7[%swap3A_51] {strides = array<i32>} : memref<272xf32, #tpu.memory_space<vmem>>, vector<16xf32>,
    tpu.vector_store %arg7[%swap3A_51], %broadcast_in_dim3A_1 {strides = array<i32>} : memref<272xf32, #tpu.memory_space<vmem>>, vector<16xf32>,
    %swap3A_53 = arith.constant 192 : index
    %swap3A_54 = tpu.vector_load %arg8[%swap3A_53] {strides = array<i32>} : memref<272xf32, #tpu.memory_space<vmem>>, vector<16xf32>,
    tpu.vector_store %arg8[%swap3A_53], %broadcast_in_dim3A_1 {strides = array<i32>} : memref<272xf32, #tpu.memory_space<vmem>>, vector<16xf32>,
    %swap3A_55 = arith.constant 208 : index
    %swap3A_56 = tpu.vector_load %arg7[%swap3A_55] {strides = array<i32>} : memref<272xf32, #tpu.memory_space<vmem>>, vector<16xf32>,
    tpu.vector_store %arg7[%swap3A_55], %broadcast_in_dim3A_1 {strides = array<i32>} : memref<272xf32, #tpu.memory_space<vmem>>, vector<16xf32>,
    %swap3A_57 = arith.constant 208 : index
    %swap3A_58 = tpu.vector_load %arg8[%swap3A_57] {strides = array<i32>} : memref<272xf32, #tpu.memory_space<vmem>>, vector<16xf32>,
    tpu.vector_store %arg8[%swap3A_57], %broadcast_in_dim3A_1 {strides = array<i32>} : memref<272xf32, #tpu.memory_space<vmem>>, vector<16xf32>,
    %swap3A_59 = arith.constant 224 : index
    %swap3A_60 = tpu.vector_load %arg7[%swap3A_59] {strides = array<i32>} : memref<272xf32, #tpu.memory_space<vmem>>, vector<16xf32>,
    tpu.vector_store %arg7[%swap3A_59], %broadcast_in_dim3A_1 {strides = array<i32>} : memref<272xf32, #tpu.memory_space<vmem>>, vector<16xf32>,
    %swap3A_61 = arith.constant 224 : index
    %swap3A_62 = tpu.vector_load %arg8[%swap3A_61] {strides = array<i32>} : memref<272xf32, #tpu.memory_space<vmem>>, vector<16xf32>,
    tpu.vector_store %arg8[%swap3A_61], %broadcast_in_dim3A_1 {strides = array<i32>} : memref<272xf32, #tpu.memory_space<vmem>>, vector<16xf32>,
    %swap3A_63 = arith.constant 240 : index
    %swap3A_64 = tpu.vector_load %arg7[%swap3A_63] {strides = array<i32>} : memref<272xf32, #tpu.memory_space<vmem>>, vector<16xf32>,
    tpu.vector_store %arg7[%swap3A_63], %broadcast_in_dim3A_1 {strides = array<i32>} : memref<272xf32, #tpu.memory_space<vmem>>, vector<16xf32>,
    %swap3A_65 = arith.constant 240 : index
    %swap3A_66 = tpu.vector_load %arg8[%swap3A_65] {strides = array<i32>} : memref<272xf32, #tpu.memory_space<vmem>>, vector<16xf32>,
    tpu.vector_store %arg8[%swap3A_65], %broadcast_in_dim3A_1 {strides = array<i32>} : memref<272xf32, #tpu.memory_space<vmem>>, vector<16xf32>,
    %swap3A_67 = arith.constant 256 : index
    %swap3A_68 = tpu.vector_load %arg7[%swap3A_67] {strides = array<i32>} : memref<272xf32, #tpu.memory_space<vmem>>, vector<16xf32>,
    tpu.vector_store %arg7[%swap3A_67], %broadcast_in_dim3A_1 {strides = array<i32>} : memref<272xf32, #tpu.memory_space<vmem>>, vector<16xf32>,
    %swap3A_69 = arith.constant 256 : index
    %swap3A_70 = tpu.vector_load %arg8[%swap3A_69] {strides = array<i32>} : memref<272xf32, #tpu.memory_space<vmem>>, vector<16xf32>,
    tpu.vector_store %arg8[%swap3A_69], %broadcast_in_dim3A_1 {strides = array<i32>} : memref<272xf32, #tpu.memory_space<vmem>>, vector<16xf32>,
    %scan3A = arith.constant 0 : i32
    %scan3A_71 = arith.constant 400 : i32
    %scan3A_72 = arith.addi %scan3A, %scan3A_71 : i32
    %scan3A_73 = arith.constant 1 : i32
    scf.for %scan3A_338 = %scan3A to %scan3A_72 step %scan3A_73  : i32 {
      %mul3A_339 = arith.constant 16 : i32
      %mul3A_340 = arith.muli %scan3A_338, %mul3A_339 : i32
      %get3A_341 = arith.index_cast %mul3A_340 : i32 to index
      %get3A_342 = tpu.vector_load %arg5[%get3A_341] {strides = array<i32>} : memref<6400xi32, #tpu.memory_space<vmem>>, vector<16xi32>,
      %mul3A_343 = arith.constant 16 : i32
      %mul3A_344 = arith.muli %scan3A_338, %mul3A_343 : i32
      %get3A_345 = arith.index_cast %mul3A_344 : i32 to index
      %get3A_346 = tpu.vector_load %arg6[%get3A_345] {strides = array<i32>} : memref<6400xf32, #tpu.memory_space<vmem>>, vector<16xf32>,
      tpu.vector_store_idx %arg7[%get3A_342], %get3A_346 {add = true} : memref<272xf32, #tpu.memory_space<vmem>>[vector<16xi32>], vector<16xf32>,
      tpu.vector_store_idx %arg8[%get3A_342], %broadcast_in_dim3A_3 {add = true} : memref<272xf32, #tpu.memory_space<vmem>>[vector<16xi32>], vector<16xf32>,
    }
    %scan3A_74 = arith.constant 400 : i32
    %get3A = arith.constant 0 : index
    %get3A_75 = tpu.vector_load %arg7[%get3A] {strides = array<i32>} : memref<272xf32, #tpu.memory_space<vmem>>, vector<16xf32>,
    %swap3A_76 = arith.constant 0 : index
    %swap3A_77 = tpu.vector_load %arg9[%swap3A_76] {strides = array<i32>} : memref<32xf32, #tpu.memory_space<vmem>>, vector<16xf32>,
    tpu.vector_store %arg9[%swap3A_76], %get3A_75 {strides = array<i32>} : memref<32xf32, #tpu.memory_space<vmem>>, vector<16xf32>,
    %get3A_78 = arith.constant 0 : index
    %get3A_79 = tpu.vector_load %arg8[%get3A_78] {strides = array<i32>} : memref<272xf32, #tpu.memory_space<vmem>>, vector<16xf32>,
    %swap3A_80 = arith.constant 16 : index
    %swap3A_81 = tpu.vector_load %arg9[%swap3A_80] {strides = array<i32>} : memref<32xf32, #tpu.memory_space<vmem>>, vector<16xf32>,
    tpu.vector_store %arg9[%swap3A_80], %get3A_79 {strides = array<i32>} : memref<32xf32, #tpu.memory_space<vmem>>, vector<16xf32>,
    %run_scoped3A = arith.constant 0 : i32
    "tpu.region"() ({
      %run_scoped3A_338 = tpu.sem_alloc : memref<!tpu.dma_semaphore, #tpu.memory_space<semaphore_mem>>
      %dma_start3A = arith.constant 0 : i32
      %dma_start3A_339 = tpu.memref_slice %arg11[%run_scoped3A, %arg1, %dma_start3A] : memref<16x16x32xf32, #tpu.memory_space<vmem_shared>> -> memref<1x1x32xf32, #tpu.memory_space<vmem_shared>>
      %dma_start3A_340 = tpu.memref_squeeze %dma_start3A_339 : memref<1x1x32xf32, #tpu.memory_space<vmem_shared>> -> memref<32xf32, #tpu.memory_space<vmem_shared>>
      %dma_start3A_341 = arith.constant 0 : i32
      %dma_start3A_342 = tpu.memref_slice %arg11[%run_scoped3A, %arg1, %dma_start3A_341] : memref<16x16x32xf32, #tpu.memory_space<vmem_shared>> -> memref<1x1x32xf32, #tpu.memory_space<vmem_shared>>
      %dma_start3A_343 = tpu.memref_squeeze %dma_start3A_342 : memref<1x1x32xf32, #tpu.memory_space<vmem_shared>> -> memref<32xf32, #tpu.memory_space<vmem_shared>>
      tpu.enqueue_dma source(%arg9 : memref<32xf32, #tpu.memory_space<vmem>>) target(%dma_start3A_343 : memref<32xf32, #tpu.memory_space<vmem_shared>>) target_semaphore(%run_scoped3A_338 : memref<!tpu.dma_semaphore, #tpu.memory_space<semaphore_mem>>)
      %dma_wait3A = arith.constant 0 : i32
      %dma_wait3A_344 = tpu.memref_slice %arg11[%run_scoped3A, %arg1, %dma_wait3A] : memref<16x16x32xf32, #tpu.memory_space<vmem_shared>> -> memref<1x1x32xf32, #tpu.memory_space<vmem_shared>>
      %dma_wait3A_345 = tpu.memref_squeeze %dma_wait3A_344 : memref<1x1x32xf32, #tpu.memory_space<vmem_shared>> -> memref<32xf32, #tpu.memory_space<vmem_shared>>
      %dma_wait3A_346 = arith.constant 0 : i32
      %dma_wait3A_347 = tpu.memref_slice %arg11[%run_scoped3A, %arg1, %dma_wait3A_346] : memref<16x16x32xf32, #tpu.memory_space<vmem_shared>> -> memref<1x1x32xf32, #tpu.memory_space<vmem_shared>>
      %dma_wait3A_348 = tpu.memref_squeeze %dma_wait3A_347 : memref<1x1x32xf32, #tpu.memory_space<vmem_shared>> -> memref<32xf32, #tpu.memory_space<vmem_shared>>
      tpu.wait_dma2 semaphore(%run_scoped3A_338 : memref<!tpu.dma_semaphore, #tpu.memory_space<semaphore_mem>>) src(%arg9 : memref<32xf32, #tpu.memory_space<vmem>>) dst(%dma_wait3A_348 : memref<32xf32, #tpu.memory_space<vmem_shared>>)
      tpu.yield
    }) : () -> ()
    %get3A_82 = arith.constant 16 : index
    %get3A_83 = tpu.vector_load %arg7[%get3A_82] {strides = array<i32>} : memref<272xf32, #tpu.memory_space<vmem>>, vector<16xf32>,
    %swap3A_84 = arith.constant 0 : index
    %swap3A_85 = tpu.vector_load %arg9[%swap3A_84] {strides = array<i32>} : memref<32xf32, #tpu.memory_space<vmem>>, vector<16xf32>,
    tpu.vector_store %arg9[%swap3A_84], %get3A_83 {strides = array<i32>} : memref<32xf32, #tpu.memory_space<vmem>>, vector<16xf32>,
    %get3A_86 = arith.constant 16 : index
    %get3A_87 = tpu.vector_load %arg8[%get3A_86] {strides = array<i32>} : memref<272xf32, #tpu.memory_space<vmem>>, vector<16xf32>,
    %swap3A_88 = arith.constant 16 : index
    %swap3A_89 = tpu.vector_load %arg9[%swap3A_88] {strides = array<i32>} : memref<32xf32, #tpu.memory_space<vmem>>, vector<16xf32>,
    tpu.vector_store %arg9[%swap3A_88], %get3A_87 {strides = array<i32>} : memref<32xf32, #tpu.memory_space<vmem>>, vector<16xf32>,
    %run_scoped3A_90 = arith.constant 1 : i32
    "tpu.region"() ({
      %run_scoped3A_338 = tpu.sem_alloc : memref<!tpu.dma_semaphore, #tpu.memory_space<semaphore_mem>>
      %dma_start3A = arith.constant 0 : i32
      %dma_start3A_339 = tpu.memref_slice %arg11[%run_scoped3A_90, %arg1, %dma_start3A] : memref<16x16x32xf32, #tpu.memory_space<vmem_shared>> -> memref<1x1x32xf32, #tpu.memory_space<vmem_shared>>
      %dma_start3A_340 = tpu.memref_squeeze %dma_start3A_339 : memref<1x1x32xf32, #tpu.memory_space<vmem_shared>> -> memref<32xf32, #tpu.memory_space<vmem_shared>>
      %dma_start3A_341 = arith.constant 0 : i32
      %dma_start3A_342 = tpu.memref_slice %arg11[%run_scoped3A_90, %arg1, %dma_start3A_341] : memref<16x16x32xf32, #tpu.memory_space<vmem_shared>> -> memref<1x1x32xf32, #tpu.memory_space<vmem_shared>>
      %dma_start3A_343 = tpu.memref_squeeze %dma_start3A_342 : memref<1x1x32xf32, #tpu.memory_space<vmem_shared>> -> memref<32xf32, #tpu.memory_space<vmem_shared>>
      tpu.enqueue_dma source(%arg9 : memref<32xf32, #tpu.memory_space<vmem>>) target(%dma_start3A_343 : memref<32xf32, #tpu.memory_space<vmem_shared>>) target_semaphore(%run_scoped3A_338 : memref<!tpu.dma_semaphore, #tpu.memory_space<semaphore_mem>>)
      %dma_wait3A = arith.constant 0 : i32
      %dma_wait3A_344 = tpu.memref_slice %arg11[%run_scoped3A_90, %arg1, %dma_wait3A] : memref<16x16x32xf32, #tpu.memory_space<vmem_shared>> -> memref<1x1x32xf32, #tpu.memory_space<vmem_shared>>
      %dma_wait3A_345 = tpu.memref_squeeze %dma_wait3A_344 : memref<1x1x32xf32, #tpu.memory_space<vmem_shared>> -> memref<32xf32, #tpu.memory_space<vmem_shared>>
      %dma_wait3A_346 = arith.constant 0 : i32
      %dma_wait3A_347 = tpu.memref_slice %arg11[%run_scoped3A_90, %arg1, %dma_wait3A_346] : memref<16x16x32xf32, #tpu.memory_space<vmem_shared>> -> memref<1x1x32xf32, #tpu.memory_space<vmem_shared>>
      %dma_wait3A_348 = tpu.memref_squeeze %dma_wait3A_347 : memref<1x1x32xf32, #tpu.memory_space<vmem_shared>> -> memref<32xf32, #tpu.memory_space<vmem_shared>>
      tpu.wait_dma2 semaphore(%run_scoped3A_338 : memref<!tpu.dma_semaphore, #tpu.memory_space<semaphore_mem>>) src(%arg9 : memref<32xf32, #tpu.memory_space<vmem>>) dst(%dma_wait3A_348 : memref<32xf32, #tpu.memory_space<vmem_shared>>)
      tpu.yield
    }) : () -> ()
    %get3A_91 = arith.constant 32 : index
    %get3A_92 = tpu.vector_load %arg7[%get3A_91] {strides = array<i32>} : memref<272xf32, #tpu.memory_space<vmem>>, vector<16xf32>,
    %swap3A_93 = arith.constant 0 : index
    %swap3A_94 = tpu.vector_load %arg9[%swap3A_93] {strides = array<i32>} : memref<32xf32, #tpu.memory_space<vmem>>, vector<16xf32>,
    tpu.vector_store %arg9[%swap3A_93], %get3A_92 {strides = array<i32>} : memref<32xf32, #tpu.memory_space<vmem>>, vector<16xf32>,
    %get3A_95 = arith.constant 32 : index
    %get3A_96 = tpu.vector_load %arg8[%get3A_95] {strides = array<i32>} : memref<272xf32, #tpu.memory_space<vmem>>, vector<16xf32>,
    %swap3A_97 = arith.constant 16 : index
    %swap3A_98 = tpu.vector_load %arg9[%swap3A_97] {strides = array<i32>} : memref<32xf32, #tpu.memory_space<vmem>>, vector<16xf32>,
    tpu.vector_store %arg9[%swap3A_97], %get3A_96 {strides = array<i32>} : memref<32xf32, #tpu.memory_space<vmem>>, vector<16xf32>,
    %run_scoped3A_99 = arith.constant 2 : i32
    "tpu.region"() ({
      %run_scoped3A_338 = tpu.sem_alloc : memref<!tpu.dma_semaphore, #tpu.memory_space<semaphore_mem>>
      %dma_start3A = arith.constant 0 : i32
      %dma_start3A_339 = tpu.memref_slice %arg11[%run_scoped3A_99, %arg1, %dma_start3A] : memref<16x16x32xf32, #tpu.memory_space<vmem_shared>> -> memref<1x1x32xf32, #tpu.memory_space<vmem_shared>>
      %dma_start3A_340 = tpu.memref_squeeze %dma_start3A_339 : memref<1x1x32xf32, #tpu.memory_space<vmem_shared>> -> memref<32xf32, #tpu.memory_space<vmem_shared>>
      %dma_start3A_341 = arith.constant 0 : i32
      %dma_start3A_342 = tpu.memref_slice %arg11[%run_scoped3A_99, %arg1, %dma_start3A_341] : memref<16x16x32xf32, #tpu.memory_space<vmem_shared>> -> memref<1x1x32xf32, #tpu.memory_space<vmem_shared>>
      %dma_start3A_343 = tpu.memref_squeeze %dma_start3A_342 : memref<1x1x32xf32, #tpu.memory_space<vmem_shared>> -> memref<32xf32, #tpu.memory_space<vmem_shared>>
      tpu.enqueue_dma source(%arg9 : memref<32xf32, #tpu.memory_space<vmem>>) target(%dma_start3A_343 : memref<32xf32, #tpu.memory_space<vmem_shared>>) target_semaphore(%run_scoped3A_338 : memref<!tpu.dma_semaphore, #tpu.memory_space<semaphore_mem>>)
      %dma_wait3A = arith.constant 0 : i32
      %dma_wait3A_344 = tpu.memref_slice %arg11[%run_scoped3A_99, %arg1, %dma_wait3A] : memref<16x16x32xf32, #tpu.memory_space<vmem_shared>> -> memref<1x1x32xf32, #tpu.memory_space<vmem_shared>>
      %dma_wait3A_345 = tpu.memref_squeeze %dma_wait3A_344 : memref<1x1x32xf32, #tpu.memory_space<vmem_shared>> -> memref<32xf32, #tpu.memory_space<vmem_shared>>
      %dma_wait3A_346 = arith.constant 0 : i32
      %dma_wait3A_347 = tpu.memref_slice %arg11[%run_scoped3A_99, %arg1, %dma_wait3A_346] : memref<16x16x32xf32, #tpu.memory_space<vmem_shared>> -> memref<1x1x32xf32, #tpu.memory_space<vmem_shared>>
      %dma_wait3A_348 = tpu.memref_squeeze %dma_wait3A_347 : memref<1x1x32xf32, #tpu.memory_space<vmem_shared>> -> memref<32xf32, #tpu.memory_space<vmem_shared>>
      tpu.wait_dma2 semaphore(%run_scoped3A_338 : memref<!tpu.dma_semaphore, #tpu.memory_space<semaphore_mem>>) src(%arg9 : memref<32xf32, #tpu.memory_space<vmem>>) dst(%dma_wait3A_348 : memref<32xf32, #tpu.memory_space<vmem_shared>>)
      tpu.yield
    }) : () -> ()
    %get3A_100 = arith.constant 48 : index
    %get3A_101 = tpu.vector_load %arg7[%get3A_100] {strides = array<i32>} : memref<272xf32, #tpu.memory_space<vmem>>, vector<16xf32>,
    %swap3A_102 = arith.constant 0 : index
    %swap3A_103 = tpu.vector_load %arg9[%swap3A_102] {strides = array<i32>} : memref<32xf32, #tpu.memory_space<vmem>>, vector<16xf32>,
    tpu.vector_store %arg9[%swap3A_102], %get3A_101 {strides = array<i32>} : memref<32xf32, #tpu.memory_space<vmem>>, vector<16xf32>,
    %get3A_104 = arith.constant 48 : index
    %get3A_105 = tpu.vector_load %arg8[%get3A_104] {strides = array<i32>} : memref<272xf32, #tpu.memory_space<vmem>>, vector<16xf32>,
    %swap3A_106 = arith.constant 16 : index
    %swap3A_107 = tpu.vector_load %arg9[%swap3A_106] {strides = array<i32>} : memref<32xf32, #tpu.memory_space<vmem>>, vector<16xf32>,
    tpu.vector_store %arg9[%swap3A_106], %get3A_105 {strides = array<i32>} : memref<32xf32, #tpu.memory_space<vmem>>, vector<16xf32>,
    %run_scoped3A_108 = arith.constant 3 : i32
    "tpu.region"() ({
      %run_scoped3A_338 = tpu.sem_alloc : memref<!tpu.dma_semaphore, #tpu.memory_space<semaphore_mem>>
      %dma_start3A = arith.constant 0 : i32
      %dma_start3A_339 = tpu.memref_slice %arg11[%run_scoped3A_108, %arg1, %dma_start3A] : memref<16x16x32xf32, #tpu.memory_space<vmem_shared>> -> memref<1x1x32xf32, #tpu.memory_space<vmem_shared>>
      %dma_start3A_340 = tpu.memref_squeeze %dma_start3A_339 : memref<1x1x32xf32, #tpu.memory_space<vmem_shared>> -> memref<32xf32, #tpu.memory_space<vmem_shared>>
      %dma_start3A_341 = arith.constant 0 : i32
      %dma_start3A_342 = tpu.memref_slice %arg11[%run_scoped3A_108, %arg1, %dma_start3A_341] : memref<16x16x32xf32, #tpu.memory_space<vmem_shared>> -> memref<1x1x32xf32, #tpu.memory_space<vmem_shared>>
      %dma_start3A_343 = tpu.memref_squeeze %dma_start3A_342 : memref<1x1x32xf32, #tpu.memory_space<vmem_shared>> -> memref<32xf32, #tpu.memory_space<vmem_shared>>
      tpu.enqueue_dma source(%arg9 : memref<32xf32, #tpu.memory_space<vmem>>) target(%dma_start3A_343 : memref<32xf32, #tpu.memory_space<vmem_shared>>) target_semaphore(%run_scoped3A_338 : memref<!tpu.dma_semaphore, #tpu.memory_space<semaphore_mem>>)
      %dma_wait3A = arith.constant 0 : i32
      %dma_wait3A_344 = tpu.memref_slice %arg11[%run_scoped3A_108, %arg1, %dma_wait3A] : memref<16x16x32xf32, #tpu.memory_space<vmem_shared>> -> memref<1x1x32xf32, #tpu.memory_space<vmem_shared>>
      %dma_wait3A_345 = tpu.memref_squeeze %dma_wait3A_344 : memref<1x1x32xf32, #tpu.memory_space<vmem_shared>> -> memref<32xf32, #tpu.memory_space<vmem_shared>>
      %dma_wait3A_346 = arith.constant 0 : i32
      %dma_wait3A_347 = tpu.memref_slice %arg11[%run_scoped3A_108, %arg1, %dma_wait3A_346] : memref<16x16x32xf32, #tpu.memory_space<vmem_shared>> -> memref<1x1x32xf32, #tpu.memory_space<vmem_shared>>
      %dma_wait3A_348 = tpu.memref_squeeze %dma_wait3A_347 : memref<1x1x32xf32, #tpu.memory_space<vmem_shared>> -> memref<32xf32, #tpu.memory_space<vmem_shared>>
      tpu.wait_dma2 semaphore(%run_scoped3A_338 : memref<!tpu.dma_semaphore, #tpu.memory_space<semaphore_mem>>) src(%arg9 : memref<32xf32, #tpu.memory_space<vmem>>) dst(%dma_wait3A_348 : memref<32xf32, #tpu.memory_space<vmem_shared>>)
      tpu.yield
    }) : () -> ()
    %get3A_109 = arith.constant 64 : index
    %get3A_110 = tpu.vector_load %arg7[%get3A_109] {strides = array<i32>} : memref<272xf32, #tpu.memory_space<vmem>>, vector<16xf32>,
    %swap3A_111 = arith.constant 0 : index
    %swap3A_112 = tpu.vector_load %arg9[%swap3A_111] {strides = array<i32>} : memref<32xf32, #tpu.memory_space<vmem>>, vector<16xf32>,
    tpu.vector_store %arg9[%swap3A_111], %get3A_110 {strides = array<i32>} : memref<32xf32, #tpu.memory_space<vmem>>, vector<16xf32>,
    %get3A_113 = arith.constant 64 : index
    %get3A_114 = tpu.vector_load %arg8[%get3A_113] {strides = array<i32>} : memref<272xf32, #tpu.memory_space<vmem>>, vector<16xf32>,
    %swap3A_115 = arith.constant 16 : index
    %swap3A_116 = tpu.vector_load %arg9[%swap3A_115] {strides = array<i32>} : memref<32xf32, #tpu.memory_space<vmem>>, vector<16xf32>,
    tpu.vector_store %arg9[%swap3A_115], %get3A_114 {strides = array<i32>} : memref<32xf32, #tpu.memory_space<vmem>>, vector<16xf32>,
    %run_scoped3A_117 = arith.constant 4 : i32
    "tpu.region"() ({
      %run_scoped3A_338 = tpu.sem_alloc : memref<!tpu.dma_semaphore, #tpu.memory_space<semaphore_mem>>
      %dma_start3A = arith.constant 0 : i32
      %dma_start3A_339 = tpu.memref_slice %arg11[%run_scoped3A_117, %arg1, %dma_start3A] : memref<16x16x32xf32, #tpu.memory_space<vmem_shared>> -> memref<1x1x32xf32, #tpu.memory_space<vmem_shared>>
      %dma_start3A_340 = tpu.memref_squeeze %dma_start3A_339 : memref<1x1x32xf32, #tpu.memory_space<vmem_shared>> -> memref<32xf32, #tpu.memory_space<vmem_shared>>
      %dma_start3A_341 = arith.constant 0 : i32
      %dma_start3A_342 = tpu.memref_slice %arg11[%run_scoped3A_117, %arg1, %dma_start3A_341] : memref<16x16x32xf32, #tpu.memory_space<vmem_shared>> -> memref<1x1x32xf32, #tpu.memory_space<vmem_shared>>
      %dma_start3A_343 = tpu.memref_squeeze %dma_start3A_342 : memref<1x1x32xf32, #tpu.memory_space<vmem_shared>> -> memref<32xf32, #tpu.memory_space<vmem_shared>>
      tpu.enqueue_dma source(%arg9 : memref<32xf32, #tpu.memory_space<vmem>>) target(%dma_start3A_343 : memref<32xf32, #tpu.memory_space<vmem_shared>>) target_semaphore(%run_scoped3A_338 : memref<!tpu.dma_semaphore, #tpu.memory_space<semaphore_mem>>)
      %dma_wait3A = arith.constant 0 : i32
      %dma_wait3A_344 = tpu.memref_slice %arg11[%run_scoped3A_117, %arg1, %dma_wait3A] : memref<16x16x32xf32, #tpu.memory_space<vmem_shared>> -> memref<1x1x32xf32, #tpu.memory_space<vmem_shared>>
      %dma_wait3A_345 = tpu.memref_squeeze %dma_wait3A_344 : memref<1x1x32xf32, #tpu.memory_space<vmem_shared>> -> memref<32xf32, #tpu.memory_space<vmem_shared>>
      %dma_wait3A_346 = arith.constant 0 : i32
      %dma_wait3A_347 = tpu.memref_slice %arg11[%run_scoped3A_117, %arg1, %dma_wait3A_346] : memref<16x16x32xf32, #tpu.memory_space<vmem_shared>> -> memref<1x1x32xf32, #tpu.memory_space<vmem_shared>>
      %dma_wait3A_348 = tpu.memref_squeeze %dma_wait3A_347 : memref<1x1x32xf32, #tpu.memory_space<vmem_shared>> -> memref<32xf32, #tpu.memory_space<vmem_shared>>
      tpu.wait_dma2 semaphore(%run_scoped3A_338 : memref<!tpu.dma_semaphore, #tpu.memory_space<semaphore_mem>>) src(%arg9 : memref<32xf32, #tpu.memory_space<vmem>>) dst(%dma_wait3A_348 : memref<32xf32, #tpu.memory_space<vmem_shared>>)
      tpu.yield
    }) : () -> ()
    %get3A_118 = arith.constant 80 : index
    %get3A_119 = tpu.vector_load %arg7[%get3A_118] {strides = array<i32>} : memref<272xf32, #tpu.memory_space<vmem>>, vector<16xf32>,
    %swap3A_120 = arith.constant 0 : index
    %swap3A_121 = tpu.vector_load %arg9[%swap3A_120] {strides = array<i32>} : memref<32xf32, #tpu.memory_space<vmem>>, vector<16xf32>,
    tpu.vector_store %arg9[%swap3A_120], %get3A_119 {strides = array<i32>} : memref<32xf32, #tpu.memory_space<vmem>>, vector<16xf32>,
    %get3A_122 = arith.constant 80 : index
    %get3A_123 = tpu.vector_load %arg8[%get3A_122] {strides = array<i32>} : memref<272xf32, #tpu.memory_space<vmem>>, vector<16xf32>,
    %swap3A_124 = arith.constant 16 : index
    %swap3A_125 = tpu.vector_load %arg9[%swap3A_124] {strides = array<i32>} : memref<32xf32, #tpu.memory_space<vmem>>, vector<16xf32>,
    tpu.vector_store %arg9[%swap3A_124], %get3A_123 {strides = array<i32>} : memref<32xf32, #tpu.memory_space<vmem>>, vector<16xf32>,
    %run_scoped3A_126 = arith.constant 5 : i32
    "tpu.region"() ({
      %run_scoped3A_338 = tpu.sem_alloc : memref<!tpu.dma_semaphore, #tpu.memory_space<semaphore_mem>>
      %dma_start3A = arith.constant 0 : i32
      %dma_start3A_339 = tpu.memref_slice %arg11[%run_scoped3A_126, %arg1, %dma_start3A] : memref<16x16x32xf32, #tpu.memory_space<vmem_shared>> -> memref<1x1x32xf32, #tpu.memory_space<vmem_shared>>
      %dma_start3A_340 = tpu.memref_squeeze %dma_start3A_339 : memref<1x1x32xf32, #tpu.memory_space<vmem_shared>> -> memref<32xf32, #tpu.memory_space<vmem_shared>>
      %dma_start3A_341 = arith.constant 0 : i32
      %dma_start3A_342 = tpu.memref_slice %arg11[%run_scoped3A_126, %arg1, %dma_start3A_341] : memref<16x16x32xf32, #tpu.memory_space<vmem_shared>> -> memref<1x1x32xf32, #tpu.memory_space<vmem_shared>>
      %dma_start3A_343 = tpu.memref_squeeze %dma_start3A_342 : memref<1x1x32xf32, #tpu.memory_space<vmem_shared>> -> memref<32xf32, #tpu.memory_space<vmem_shared>>
      tpu.enqueue_dma source(%arg9 : memref<32xf32, #tpu.memory_space<vmem>>) target(%dma_start3A_343 : memref<32xf32, #tpu.memory_space<vmem_shared>>) target_semaphore(%run_scoped3A_338 : memref<!tpu.dma_semaphore, #tpu.memory_space<semaphore_mem>>)
      %dma_wait3A = arith.constant 0 : i32
      %dma_wait3A_344 = tpu.memref_slice %arg11[%run_scoped3A_126, %arg1, %dma_wait3A] : memref<16x16x32xf32, #tpu.memory_space<vmem_shared>> -> memref<1x1x32xf32, #tpu.memory_space<vmem_shared>>
      %dma_wait3A_345 = tpu.memref_squeeze %dma_wait3A_344 : memref<1x1x32xf32, #tpu.memory_space<vmem_shared>> -> memref<32xf32, #tpu.memory_space<vmem_shared>>
      %dma_wait3A_346 = arith.constant 0 : i32
      %dma_wait3A_347 = tpu.memref_slice %arg11[%run_scoped3A_126, %arg1, %dma_wait3A_346] : memref<16x16x32xf32, #tpu.memory_space<vmem_shared>> -> memref<1x1x32xf32, #tpu.memory_space<vmem_shared>>
      %dma_wait3A_348 = tpu.memref_squeeze %dma_wait3A_347 : memref<1x1x32xf32, #tpu.memory_space<vmem_shared>> -> memref<32xf32, #tpu.memory_space<vmem_shared>>
      tpu.wait_dma2 semaphore(%run_scoped3A_338 : memref<!tpu.dma_semaphore, #tpu.memory_space<semaphore_mem>>) src(%arg9 : memref<32xf32, #tpu.memory_space<vmem>>) dst(%dma_wait3A_348 : memref<32xf32, #tpu.memory_space<vmem_shared>>)
      tpu.yield
    }) : () -> ()
    %get3A_127 = arith.constant 96 : index
    %get3A_128 = tpu.vector_load %arg7[%get3A_127] {strides = array<i32>} : memref<272xf32, #tpu.memory_space<vmem>>, vector<16xf32>,
    %swap3A_129 = arith.constant 0 : index
    %swap3A_130 = tpu.vector_load %arg9[%swap3A_129] {strides = array<i32>} : memref<32xf32, #tpu.memory_space<vmem>>, vector<16xf32>,
    tpu.vector_store %arg9[%swap3A_129], %get3A_128 {strides = array<i32>} : memref<32xf32, #tpu.memory_space<vmem>>, vector<16xf32>,
    %get3A_131 = arith.constant 96 : index
    %get3A_132 = tpu.vector_load %arg8[%get3A_131] {strides = array<i32>} : memref<272xf32, #tpu.memory_space<vmem>>, vector<16xf32>,
    %swap3A_133 = arith.constant 16 : index
    %swap3A_134 = tpu.vector_load %arg9[%swap3A_133] {strides = array<i32>} : memref<32xf32, #tpu.memory_space<vmem>>, vector<16xf32>,
    tpu.vector_store %arg9[%swap3A_133], %get3A_132 {strides = array<i32>} : memref<32xf32, #tpu.memory_space<vmem>>, vector<16xf32>,
    %run_scoped3A_135 = arith.constant 6 : i32
    "tpu.region"() ({
      %run_scoped3A_338 = tpu.sem_alloc : memref<!tpu.dma_semaphore, #tpu.memory_space<semaphore_mem>>
      %dma_start3A = arith.constant 0 : i32
      %dma_start3A_339 = tpu.memref_slice %arg11[%run_scoped3A_135, %arg1, %dma_start3A] : memref<16x16x32xf32, #tpu.memory_space<vmem_shared>> -> memref<1x1x32xf32, #tpu.memory_space<vmem_shared>>
      %dma_start3A_340 = tpu.memref_squeeze %dma_start3A_339 : memref<1x1x32xf32, #tpu.memory_space<vmem_shared>> -> memref<32xf32, #tpu.memory_space<vmem_shared>>
      %dma_start3A_341 = arith.constant 0 : i32
      %dma_start3A_342 = tpu.memref_slice %arg11[%run_scoped3A_135, %arg1, %dma_start3A_341] : memref<16x16x32xf32, #tpu.memory_space<vmem_shared>> -> memref<1x1x32xf32, #tpu.memory_space<vmem_shared>>
      %dma_start3A_343 = tpu.memref_squeeze %dma_start3A_342 : memref<1x1x32xf32, #tpu.memory_space<vmem_shared>> -> memref<32xf32, #tpu.memory_space<vmem_shared>>
      tpu.enqueue_dma source(%arg9 : memref<32xf32, #tpu.memory_space<vmem>>) target(%dma_start3A_343 : memref<32xf32, #tpu.memory_space<vmem_shared>>) target_semaphore(%run_scoped3A_338 : memref<!tpu.dma_semaphore, #tpu.memory_space<semaphore_mem>>)
      %dma_wait3A = arith.constant 0 : i32
      %dma_wait3A_344 = tpu.memref_slice %arg11[%run_scoped3A_135, %arg1, %dma_wait3A] : memref<16x16x32xf32, #tpu.memory_space<vmem_shared>> -> memref<1x1x32xf32, #tpu.memory_space<vmem_shared>>
      %dma_wait3A_345 = tpu.memref_squeeze %dma_wait3A_344 : memref<1x1x32xf32, #tpu.memory_space<vmem_shared>> -> memref<32xf32, #tpu.memory_space<vmem_shared>>
      %dma_wait3A_346 = arith.constant 0 : i32
      %dma_wait3A_347 = tpu.memref_slice %arg11[%run_scoped3A_135, %arg1, %dma_wait3A_346] : memref<16x16x32xf32, #tpu.memory_space<vmem_shared>> -> memref<1x1x32xf32, #tpu.memory_space<vmem_shared>>
      %dma_wait3A_348 = tpu.memref_squeeze %dma_wait3A_347 : memref<1x1x32xf32, #tpu.memory_space<vmem_shared>> -> memref<32xf32, #tpu.memory_space<vmem_shared>>
      tpu.wait_dma2 semaphore(%run_scoped3A_338 : memref<!tpu.dma_semaphore, #tpu.memory_space<semaphore_mem>>) src(%arg9 : memref<32xf32, #tpu.memory_space<vmem>>) dst(%dma_wait3A_348 : memref<32xf32, #tpu.memory_space<vmem_shared>>)
      tpu.yield
    }) : () -> ()
    %get3A_136 = arith.constant 112 : index
    %get3A_137 = tpu.vector_load %arg7[%get3A_136] {strides = array<i32>} : memref<272xf32, #tpu.memory_space<vmem>>, vector<16xf32>,
    %swap3A_138 = arith.constant 0 : index
    %swap3A_139 = tpu.vector_load %arg9[%swap3A_138] {strides = array<i32>} : memref<32xf32, #tpu.memory_space<vmem>>, vector<16xf32>,
    tpu.vector_store %arg9[%swap3A_138], %get3A_137 {strides = array<i32>} : memref<32xf32, #tpu.memory_space<vmem>>, vector<16xf32>,
    %get3A_140 = arith.constant 112 : index
    %get3A_141 = tpu.vector_load %arg8[%get3A_140] {strides = array<i32>} : memref<272xf32, #tpu.memory_space<vmem>>, vector<16xf32>,
    %swap3A_142 = arith.constant 16 : index
    %swap3A_143 = tpu.vector_load %arg9[%swap3A_142] {strides = array<i32>} : memref<32xf32, #tpu.memory_space<vmem>>, vector<16xf32>,
    tpu.vector_store %arg9[%swap3A_142], %get3A_141 {strides = array<i32>} : memref<32xf32, #tpu.memory_space<vmem>>, vector<16xf32>,
    %run_scoped3A_144 = arith.constant 7 : i32
    "tpu.region"() ({
      %run_scoped3A_338 = tpu.sem_alloc : memref<!tpu.dma_semaphore, #tpu.memory_space<semaphore_mem>>
      %dma_start3A = arith.constant 0 : i32
      %dma_start3A_339 = tpu.memref_slice %arg11[%run_scoped3A_144, %arg1, %dma_start3A] : memref<16x16x32xf32, #tpu.memory_space<vmem_shared>> -> memref<1x1x32xf32, #tpu.memory_space<vmem_shared>>
      %dma_start3A_340 = tpu.memref_squeeze %dma_start3A_339 : memref<1x1x32xf32, #tpu.memory_space<vmem_shared>> -> memref<32xf32, #tpu.memory_space<vmem_shared>>
      %dma_start3A_341 = arith.constant 0 : i32
      %dma_start3A_342 = tpu.memref_slice %arg11[%run_scoped3A_144, %arg1, %dma_start3A_341] : memref<16x16x32xf32, #tpu.memory_space<vmem_shared>> -> memref<1x1x32xf32, #tpu.memory_space<vmem_shared>>
      %dma_start3A_343 = tpu.memref_squeeze %dma_start3A_342 : memref<1x1x32xf32, #tpu.memory_space<vmem_shared>> -> memref<32xf32, #tpu.memory_space<vmem_shared>>
      tpu.enqueue_dma source(%arg9 : memref<32xf32, #tpu.memory_space<vmem>>) target(%dma_start3A_343 : memref<32xf32, #tpu.memory_space<vmem_shared>>) target_semaphore(%run_scoped3A_338 : memref<!tpu.dma_semaphore, #tpu.memory_space<semaphore_mem>>)
      %dma_wait3A = arith.constant 0 : i32
      %dma_wait3A_344 = tpu.memref_slice %arg11[%run_scoped3A_144, %arg1, %dma_wait3A] : memref<16x16x32xf32, #tpu.memory_space<vmem_shared>> -> memref<1x1x32xf32, #tpu.memory_space<vmem_shared>>
      %dma_wait3A_345 = tpu.memref_squeeze %dma_wait3A_344 : memref<1x1x32xf32, #tpu.memory_space<vmem_shared>> -> memref<32xf32, #tpu.memory_space<vmem_shared>>
      %dma_wait3A_346 = arith.constant 0 : i32
      %dma_wait3A_347 = tpu.memref_slice %arg11[%run_scoped3A_144, %arg1, %dma_wait3A_346] : memref<16x16x32xf32, #tpu.memory_space<vmem_shared>> -> memref<1x1x32xf32, #tpu.memory_space<vmem_shared>>
      %dma_wait3A_348 = tpu.memref_squeeze %dma_wait3A_347 : memref<1x1x32xf32, #tpu.memory_space<vmem_shared>> -> memref<32xf32, #tpu.memory_space<vmem_shared>>
      tpu.wait_dma2 semaphore(%run_scoped3A_338 : memref<!tpu.dma_semaphore, #tpu.memory_space<semaphore_mem>>) src(%arg9 : memref<32xf32, #tpu.memory_space<vmem>>) dst(%dma_wait3A_348 : memref<32xf32, #tpu.memory_space<vmem_shared>>)
      tpu.yield
    }) : () -> ()
    %get3A_145 = arith.constant 128 : index
    %get3A_146 = tpu.vector_load %arg7[%get3A_145] {strides = array<i32>} : memref<272xf32, #tpu.memory_space<vmem>>, vector<16xf32>,
    %swap3A_147 = arith.constant 0 : index
    %swap3A_148 = tpu.vector_load %arg9[%swap3A_147] {strides = array<i32>} : memref<32xf32, #tpu.memory_space<vmem>>, vector<16xf32>,
    tpu.vector_store %arg9[%swap3A_147], %get3A_146 {strides = array<i32>} : memref<32xf32, #tpu.memory_space<vmem>>, vector<16xf32>,
    %get3A_149 = arith.constant 128 : index
    %get3A_150 = tpu.vector_load %arg8[%get3A_149] {strides = array<i32>} : memref<272xf32, #tpu.memory_space<vmem>>, vector<16xf32>,
    %swap3A_151 = arith.constant 16 : index
    %swap3A_152 = tpu.vector_load %arg9[%swap3A_151] {strides = array<i32>} : memref<32xf32, #tpu.memory_space<vmem>>, vector<16xf32>,
    tpu.vector_store %arg9[%swap3A_151], %get3A_150 {strides = array<i32>} : memref<32xf32, #tpu.memory_space<vmem>>, vector<16xf32>,
    %run_scoped3A_153 = arith.constant 8 : i32
    "tpu.region"() ({
      %run_scoped3A_338 = tpu.sem_alloc : memref<!tpu.dma_semaphore, #tpu.memory_space<semaphore_mem>>
      %dma_start3A = arith.constant 0 : i32
      %dma_start3A_339 = tpu.memref_slice %arg11[%run_scoped3A_153, %arg1, %dma_start3A] : memref<16x16x32xf32, #tpu.memory_space<vmem_shared>> -> memref<1x1x32xf32, #tpu.memory_space<vmem_shared>>
      %dma_start3A_340 = tpu.memref_squeeze %dma_start3A_339 : memref<1x1x32xf32, #tpu.memory_space<vmem_shared>> -> memref<32xf32, #tpu.memory_space<vmem_shared>>
      %dma_start3A_341 = arith.constant 0 : i32
      %dma_start3A_342 = tpu.memref_slice %arg11[%run_scoped3A_153, %arg1, %dma_start3A_341] : memref<16x16x32xf32, #tpu.memory_space<vmem_shared>> -> memref<1x1x32xf32, #tpu.memory_space<vmem_shared>>
      %dma_start3A_343 = tpu.memref_squeeze %dma_start3A_342 : memref<1x1x32xf32, #tpu.memory_space<vmem_shared>> -> memref<32xf32, #tpu.memory_space<vmem_shared>>
      tpu.enqueue_dma source(%arg9 : memref<32xf32, #tpu.memory_space<vmem>>) target(%dma_start3A_343 : memref<32xf32, #tpu.memory_space<vmem_shared>>) target_semaphore(%run_scoped3A_338 : memref<!tpu.dma_semaphore, #tpu.memory_space<semaphore_mem>>)
      %dma_wait3A = arith.constant 0 : i32
      %dma_wait3A_344 = tpu.memref_slice %arg11[%run_scoped3A_153, %arg1, %dma_wait3A] : memref<16x16x32xf32, #tpu.memory_space<vmem_shared>> -> memref<1x1x32xf32, #tpu.memory_space<vmem_shared>>
      %dma_wait3A_345 = tpu.memref_squeeze %dma_wait3A_344 : memref<1x1x32xf32, #tpu.memory_space<vmem_shared>> -> memref<32xf32, #tpu.memory_space<vmem_shared>>
      %dma_wait3A_346 = arith.constant 0 : i32
      %dma_wait3A_347 = tpu.memref_slice %arg11[%run_scoped3A_153, %arg1, %dma_wait3A_346] : memref<16x16x32xf32, #tpu.memory_space<vmem_shared>> -> memref<1x1x32xf32, #tpu.memory_space<vmem_shared>>
      %dma_wait3A_348 = tpu.memref_squeeze %dma_wait3A_347 : memref<1x1x32xf32, #tpu.memory_space<vmem_shared>> -> memref<32xf32, #tpu.memory_space<vmem_shared>>
      tpu.wait_dma2 semaphore(%run_scoped3A_338 : memref<!tpu.dma_semaphore, #tpu.memory_space<semaphore_mem>>) src(%arg9 : memref<32xf32, #tpu.memory_space<vmem>>) dst(%dma_wait3A_348 : memref<32xf32, #tpu.memory_space<vmem_shared>>)
      tpu.yield
    }) : () -> ()
    %get3A_154 = arith.constant 144 : index
    %get3A_155 = tpu.vector_load %arg7[%get3A_154] {strides = array<i32>} : memref<272xf32, #tpu.memory_space<vmem>>, vector<16xf32>,
    %swap3A_156 = arith.constant 0 : index
    %swap3A_157 = tpu.vector_load %arg9[%swap3A_156] {strides = array<i32>} : memref<32xf32, #tpu.memory_space<vmem>>, vector<16xf32>,
    tpu.vector_store %arg9[%swap3A_156], %get3A_155 {strides = array<i32>} : memref<32xf32, #tpu.memory_space<vmem>>, vector<16xf32>,
    %get3A_158 = arith.constant 144 : index
    %get3A_159 = tpu.vector_load %arg8[%get3A_158] {strides = array<i32>} : memref<272xf32, #tpu.memory_space<vmem>>, vector<16xf32>,
    %swap3A_160 = arith.constant 16 : index
    %swap3A_161 = tpu.vector_load %arg9[%swap3A_160] {strides = array<i32>} : memref<32xf32, #tpu.memory_space<vmem>>, vector<16xf32>,
    tpu.vector_store %arg9[%swap3A_160], %get3A_159 {strides = array<i32>} : memref<32xf32, #tpu.memory_space<vmem>>, vector<16xf32>,
    %run_scoped3A_162 = arith.constant 9 : i32
    "tpu.region"() ({
      %run_scoped3A_338 = tpu.sem_alloc : memref<!tpu.dma_semaphore, #tpu.memory_space<semaphore_mem>>
      %dma_start3A = arith.constant 0 : i32
      %dma_start3A_339 = tpu.memref_slice %arg11[%run_scoped3A_162, %arg1, %dma_start3A] : memref<16x16x32xf32, #tpu.memory_space<vmem_shared>> -> memref<1x1x32xf32, #tpu.memory_space<vmem_shared>>
      %dma_start3A_340 = tpu.memref_squeeze %dma_start3A_339 : memref<1x1x32xf32, #tpu.memory_space<vmem_shared>> -> memref<32xf32, #tpu.memory_space<vmem_shared>>
      %dma_start3A_341 = arith.constant 0 : i32
      %dma_start3A_342 = tpu.memref_slice %arg11[%run_scoped3A_162, %arg1, %dma_start3A_341] : memref<16x16x32xf32, #tpu.memory_space<vmem_shared>> -> memref<1x1x32xf32, #tpu.memory_space<vmem_shared>>
      %dma_start3A_343 = tpu.memref_squeeze %dma_start3A_342 : memref<1x1x32xf32, #tpu.memory_space<vmem_shared>> -> memref<32xf32, #tpu.memory_space<vmem_shared>>
      tpu.enqueue_dma source(%arg9 : memref<32xf32, #tpu.memory_space<vmem>>) target(%dma_start3A_343 : memref<32xf32, #tpu.memory_space<vmem_shared>>) target_semaphore(%run_scoped3A_338 : memref<!tpu.dma_semaphore, #tpu.memory_space<semaphore_mem>>)
      %dma_wait3A = arith.constant 0 : i32
      %dma_wait3A_344 = tpu.memref_slice %arg11[%run_scoped3A_162, %arg1, %dma_wait3A] : memref<16x16x32xf32, #tpu.memory_space<vmem_shared>> -> memref<1x1x32xf32, #tpu.memory_space<vmem_shared>>
      %dma_wait3A_345 = tpu.memref_squeeze %dma_wait3A_344 : memref<1x1x32xf32, #tpu.memory_space<vmem_shared>> -> memref<32xf32, #tpu.memory_space<vmem_shared>>
      %dma_wait3A_346 = arith.constant 0 : i32
      %dma_wait3A_347 = tpu.memref_slice %arg11[%run_scoped3A_162, %arg1, %dma_wait3A_346] : memref<16x16x32xf32, #tpu.memory_space<vmem_shared>> -> memref<1x1x32xf32, #tpu.memory_space<vmem_shared>>
      %dma_wait3A_348 = tpu.memref_squeeze %dma_wait3A_347 : memref<1x1x32xf32, #tpu.memory_space<vmem_shared>> -> memref<32xf32, #tpu.memory_space<vmem_shared>>
      tpu.wait_dma2 semaphore(%run_scoped3A_338 : memref<!tpu.dma_semaphore, #tpu.memory_space<semaphore_mem>>) src(%arg9 : memref<32xf32, #tpu.memory_space<vmem>>) dst(%dma_wait3A_348 : memref<32xf32, #tpu.memory_space<vmem_shared>>)
      tpu.yield
    }) : () -> ()
    %get3A_163 = arith.constant 160 : index
    %get3A_164 = tpu.vector_load %arg7[%get3A_163] {strides = array<i32>} : memref<272xf32, #tpu.memory_space<vmem>>, vector<16xf32>,
    %swap3A_165 = arith.constant 0 : index
    %swap3A_166 = tpu.vector_load %arg9[%swap3A_165] {strides = array<i32>} : memref<32xf32, #tpu.memory_space<vmem>>, vector<16xf32>,
    tpu.vector_store %arg9[%swap3A_165], %get3A_164 {strides = array<i32>} : memref<32xf32, #tpu.memory_space<vmem>>, vector<16xf32>,
    %get3A_167 = arith.constant 160 : index
    %get3A_168 = tpu.vector_load %arg8[%get3A_167] {strides = array<i32>} : memref<272xf32, #tpu.memory_space<vmem>>, vector<16xf32>,
    %swap3A_169 = arith.constant 16 : index
    %swap3A_170 = tpu.vector_load %arg9[%swap3A_169] {strides = array<i32>} : memref<32xf32, #tpu.memory_space<vmem>>, vector<16xf32>,
    tpu.vector_store %arg9[%swap3A_169], %get3A_168 {strides = array<i32>} : memref<32xf32, #tpu.memory_space<vmem>>, vector<16xf32>,
    %run_scoped3A_171 = arith.constant 10 : i32
    "tpu.region"() ({
      %run_scoped3A_338 = tpu.sem_alloc : memref<!tpu.dma_semaphore, #tpu.memory_space<semaphore_mem>>
      %dma_start3A = arith.constant 0 : i32
      %dma_start3A_339 = tpu.memref_slice %arg11[%run_scoped3A_171, %arg1, %dma_start3A] : memref<16x16x32xf32, #tpu.memory_space<vmem_shared>> -> memref<1x1x32xf32, #tpu.memory_space<vmem_shared>>
      %dma_start3A_340 = tpu.memref_squeeze %dma_start3A_339 : memref<1x1x32xf32, #tpu.memory_space<vmem_shared>> -> memref<32xf32, #tpu.memory_space<vmem_shared>>
      %dma_start3A_341 = arith.constant 0 : i32
      %dma_start3A_342 = tpu.memref_slice %arg11[%run_scoped3A_171, %arg1, %dma_start3A_341] : memref<16x16x32xf32, #tpu.memory_space<vmem_shared>> -> memref<1x1x32xf32, #tpu.memory_space<vmem_shared>>
      %dma_start3A_343 = tpu.memref_squeeze %dma_start3A_342 : memref<1x1x32xf32, #tpu.memory_space<vmem_shared>> -> memref<32xf32, #tpu.memory_space<vmem_shared>>
      tpu.enqueue_dma source(%arg9 : memref<32xf32, #tpu.memory_space<vmem>>) target(%dma_start3A_343 : memref<32xf32, #tpu.memory_space<vmem_shared>>) target_semaphore(%run_scoped3A_338 : memref<!tpu.dma_semaphore, #tpu.memory_space<semaphore_mem>>)
      %dma_wait3A = arith.constant 0 : i32
      %dma_wait3A_344 = tpu.memref_slice %arg11[%run_scoped3A_171, %arg1, %dma_wait3A] : memref<16x16x32xf32, #tpu.memory_space<vmem_shared>> -> memref<1x1x32xf32, #tpu.memory_space<vmem_shared>>
      %dma_wait3A_345 = tpu.memref_squeeze %dma_wait3A_344 : memref<1x1x32xf32, #tpu.memory_space<vmem_shared>> -> memref<32xf32, #tpu.memory_space<vmem_shared>>
      %dma_wait3A_346 = arith.constant 0 : i32
      %dma_wait3A_347 = tpu.memref_slice %arg11[%run_scoped3A_171, %arg1, %dma_wait3A_346] : memref<16x16x32xf32, #tpu.memory_space<vmem_shared>> -> memref<1x1x32xf32, #tpu.memory_space<vmem_shared>>
      %dma_wait3A_348 = tpu.memref_squeeze %dma_wait3A_347 : memref<1x1x32xf32, #tpu.memory_space<vmem_shared>> -> memref<32xf32, #tpu.memory_space<vmem_shared>>
      tpu.wait_dma2 semaphore(%run_scoped3A_338 : memref<!tpu.dma_semaphore, #tpu.memory_space<semaphore_mem>>) src(%arg9 : memref<32xf32, #tpu.memory_space<vmem>>) dst(%dma_wait3A_348 : memref<32xf32, #tpu.memory_space<vmem_shared>>)
      tpu.yield
    }) : () -> ()
    %get3A_172 = arith.constant 176 : index
    %get3A_173 = tpu.vector_load %arg7[%get3A_172] {strides = array<i32>} : memref<272xf32, #tpu.memory_space<vmem>>, vector<16xf32>,
    %swap3A_174 = arith.constant 0 : index
    %swap3A_175 = tpu.vector_load %arg9[%swap3A_174] {strides = array<i32>} : memref<32xf32, #tpu.memory_space<vmem>>, vector<16xf32>,
    tpu.vector_store %arg9[%swap3A_174], %get3A_173 {strides = array<i32>} : memref<32xf32, #tpu.memory_space<vmem>>, vector<16xf32>,
    %get3A_176 = arith.constant 176 : index
    %get3A_177 = tpu.vector_load %arg8[%get3A_176] {strides = array<i32>} : memref<272xf32, #tpu.memory_space<vmem>>, vector<16xf32>,
    %swap3A_178 = arith.constant 16 : index
    %swap3A_179 = tpu.vector_load %arg9[%swap3A_178] {strides = array<i32>} : memref<32xf32, #tpu.memory_space<vmem>>, vector<16xf32>,
    tpu.vector_store %arg9[%swap3A_178], %get3A_177 {strides = array<i32>} : memref<32xf32, #tpu.memory_space<vmem>>, vector<16xf32>,
    %run_scoped3A_180 = arith.constant 11 : i32
    "tpu.region"() ({
      %run_scoped3A_338 = tpu.sem_alloc : memref<!tpu.dma_semaphore, #tpu.memory_space<semaphore_mem>>
      %dma_start3A = arith.constant 0 : i32
      %dma_start3A_339 = tpu.memref_slice %arg11[%run_scoped3A_180, %arg1, %dma_start3A] : memref<16x16x32xf32, #tpu.memory_space<vmem_shared>> -> memref<1x1x32xf32, #tpu.memory_space<vmem_shared>>
      %dma_start3A_340 = tpu.memref_squeeze %dma_start3A_339 : memref<1x1x32xf32, #tpu.memory_space<vmem_shared>> -> memref<32xf32, #tpu.memory_space<vmem_shared>>
      %dma_start3A_341 = arith.constant 0 : i32
      %dma_start3A_342 = tpu.memref_slice %arg11[%run_scoped3A_180, %arg1, %dma_start3A_341] : memref<16x16x32xf32, #tpu.memory_space<vmem_shared>> -> memref<1x1x32xf32, #tpu.memory_space<vmem_shared>>
      %dma_start3A_343 = tpu.memref_squeeze %dma_start3A_342 : memref<1x1x32xf32, #tpu.memory_space<vmem_shared>> -> memref<32xf32, #tpu.memory_space<vmem_shared>>
      tpu.enqueue_dma source(%arg9 : memref<32xf32, #tpu.memory_space<vmem>>) target(%dma_start3A_343 : memref<32xf32, #tpu.memory_space<vmem_shared>>) target_semaphore(%run_scoped3A_338 : memref<!tpu.dma_semaphore, #tpu.memory_space<semaphore_mem>>)
      %dma_wait3A = arith.constant 0 : i32
      %dma_wait3A_344 = tpu.memref_slice %arg11[%run_scoped3A_180, %arg1, %dma_wait3A] : memref<16x16x32xf32, #tpu.memory_space<vmem_shared>> -> memref<1x1x32xf32, #tpu.memory_space<vmem_shared>>
      %dma_wait3A_345 = tpu.memref_squeeze %dma_wait3A_344 : memref<1x1x32xf32, #tpu.memory_space<vmem_shared>> -> memref<32xf32, #tpu.memory_space<vmem_shared>>
      %dma_wait3A_346 = arith.constant 0 : i32
      %dma_wait3A_347 = tpu.memref_slice %arg11[%run_scoped3A_180, %arg1, %dma_wait3A_346] : memref<16x16x32xf32, #tpu.memory_space<vmem_shared>> -> memref<1x1x32xf32, #tpu.memory_space<vmem_shared>>
      %dma_wait3A_348 = tpu.memref_squeeze %dma_wait3A_347 : memref<1x1x32xf32, #tpu.memory_space<vmem_shared>> -> memref<32xf32, #tpu.memory_space<vmem_shared>>
      tpu.wait_dma2 semaphore(%run_scoped3A_338 : memref<!tpu.dma_semaphore, #tpu.memory_space<semaphore_mem>>) src(%arg9 : memref<32xf32, #tpu.memory_space<vmem>>) dst(%dma_wait3A_348 : memref<32xf32, #tpu.memory_space<vmem_shared>>)
      tpu.yield
    }) : () -> ()
    %get3A_181 = arith.constant 192 : index
    %get3A_182 = tpu.vector_load %arg7[%get3A_181] {strides = array<i32>} : memref<272xf32, #tpu.memory_space<vmem>>, vector<16xf32>,
    %swap3A_183 = arith.constant 0 : index
    %swap3A_184 = tpu.vector_load %arg9[%swap3A_183] {strides = array<i32>} : memref<32xf32, #tpu.memory_space<vmem>>, vector<16xf32>,
    tpu.vector_store %arg9[%swap3A_183], %get3A_182 {strides = array<i32>} : memref<32xf32, #tpu.memory_space<vmem>>, vector<16xf32>,
    %get3A_185 = arith.constant 192 : index
    %get3A_186 = tpu.vector_load %arg8[%get3A_185] {strides = array<i32>} : memref<272xf32, #tpu.memory_space<vmem>>, vector<16xf32>,
    %swap3A_187 = arith.constant 16 : index
    %swap3A_188 = tpu.vector_load %arg9[%swap3A_187] {strides = array<i32>} : memref<32xf32, #tpu.memory_space<vmem>>, vector<16xf32>,
    tpu.vector_store %arg9[%swap3A_187], %get3A_186 {strides = array<i32>} : memref<32xf32, #tpu.memory_space<vmem>>, vector<16xf32>,
    %run_scoped3A_189 = arith.constant 12 : i32
    "tpu.region"() ({
      %run_scoped3A_338 = tpu.sem_alloc : memref<!tpu.dma_semaphore, #tpu.memory_space<semaphore_mem>>
      %dma_start3A = arith.constant 0 : i32
      %dma_start3A_339 = tpu.memref_slice %arg11[%run_scoped3A_189, %arg1, %dma_start3A] : memref<16x16x32xf32, #tpu.memory_space<vmem_shared>> -> memref<1x1x32xf32, #tpu.memory_space<vmem_shared>>
      %dma_start3A_340 = tpu.memref_squeeze %dma_start3A_339 : memref<1x1x32xf32, #tpu.memory_space<vmem_shared>> -> memref<32xf32, #tpu.memory_space<vmem_shared>>
      %dma_start3A_341 = arith.constant 0 : i32
      %dma_start3A_342 = tpu.memref_slice %arg11[%run_scoped3A_189, %arg1, %dma_start3A_341] : memref<16x16x32xf32, #tpu.memory_space<vmem_shared>> -> memref<1x1x32xf32, #tpu.memory_space<vmem_shared>>
      %dma_start3A_343 = tpu.memref_squeeze %dma_start3A_342 : memref<1x1x32xf32, #tpu.memory_space<vmem_shared>> -> memref<32xf32, #tpu.memory_space<vmem_shared>>
      tpu.enqueue_dma source(%arg9 : memref<32xf32, #tpu.memory_space<vmem>>) target(%dma_start3A_343 : memref<32xf32, #tpu.memory_space<vmem_shared>>) target_semaphore(%run_scoped3A_338 : memref<!tpu.dma_semaphore, #tpu.memory_space<semaphore_mem>>)
      %dma_wait3A = arith.constant 0 : i32
      %dma_wait3A_344 = tpu.memref_slice %arg11[%run_scoped3A_189, %arg1, %dma_wait3A] : memref<16x16x32xf32, #tpu.memory_space<vmem_shared>> -> memref<1x1x32xf32, #tpu.memory_space<vmem_shared>>
      %dma_wait3A_345 = tpu.memref_squeeze %dma_wait3A_344 : memref<1x1x32xf32, #tpu.memory_space<vmem_shared>> -> memref<32xf32, #tpu.memory_space<vmem_shared>>
      %dma_wait3A_346 = arith.constant 0 : i32
      %dma_wait3A_347 = tpu.memref_slice %arg11[%run_scoped3A_189, %arg1, %dma_wait3A_346] : memref<16x16x32xf32, #tpu.memory_space<vmem_shared>> -> memref<1x1x32xf32, #tpu.memory_space<vmem_shared>>
      %dma_wait3A_348 = tpu.memref_squeeze %dma_wait3A_347 : memref<1x1x32xf32, #tpu.memory_space<vmem_shared>> -> memref<32xf32, #tpu.memory_space<vmem_shared>>
      tpu.wait_dma2 semaphore(%run_scoped3A_338 : memref<!tpu.dma_semaphore, #tpu.memory_space<semaphore_mem>>) src(%arg9 : memref<32xf32, #tpu.memory_space<vmem>>) dst(%dma_wait3A_348 : memref<32xf32, #tpu.memory_space<vmem_shared>>)
      tpu.yield
    }) : () -> ()
    %get3A_190 = arith.constant 208 : index
    %get3A_191 = tpu.vector_load %arg7[%get3A_190] {strides = array<i32>} : memref<272xf32, #tpu.memory_space<vmem>>, vector<16xf32>,
    %swap3A_192 = arith.constant 0 : index
    %swap3A_193 = tpu.vector_load %arg9[%swap3A_192] {strides = array<i32>} : memref<32xf32, #tpu.memory_space<vmem>>, vector<16xf32>,
    tpu.vector_store %arg9[%swap3A_192], %get3A_191 {strides = array<i32>} : memref<32xf32, #tpu.memory_space<vmem>>, vector<16xf32>,
    %get3A_194 = arith.constant 208 : index
    %get3A_195 = tpu.vector_load %arg8[%get3A_194] {strides = array<i32>} : memref<272xf32, #tpu.memory_space<vmem>>, vector<16xf32>,
    %swap3A_196 = arith.constant 16 : index
    %swap3A_197 = tpu.vector_load %arg9[%swap3A_196] {strides = array<i32>} : memref<32xf32, #tpu.memory_space<vmem>>, vector<16xf32>,
    tpu.vector_store %arg9[%swap3A_196], %get3A_195 {strides = array<i32>} : memref<32xf32, #tpu.memory_space<vmem>>, vector<16xf32>,
    %run_scoped3A_198 = arith.constant 13 : i32
    "tpu.region"() ({
      %run_scoped3A_338 = tpu.sem_alloc : memref<!tpu.dma_semaphore, #tpu.memory_space<semaphore_mem>>
      %dma_start3A = arith.constant 0 : i32
      %dma_start3A_339 = tpu.memref_slice %arg11[%run_scoped3A_198, %arg1, %dma_start3A] : memref<16x16x32xf32, #tpu.memory_space<vmem_shared>> -> memref<1x1x32xf32, #tpu.memory_space<vmem_shared>>
      %dma_start3A_340 = tpu.memref_squeeze %dma_start3A_339 : memref<1x1x32xf32, #tpu.memory_space<vmem_shared>> -> memref<32xf32, #tpu.memory_space<vmem_shared>>
      %dma_start3A_341 = arith.constant 0 : i32
      %dma_start3A_342 = tpu.memref_slice %arg11[%run_scoped3A_198, %arg1, %dma_start3A_341] : memref<16x16x32xf32, #tpu.memory_space<vmem_shared>> -> memref<1x1x32xf32, #tpu.memory_space<vmem_shared>>
      %dma_start3A_343 = tpu.memref_squeeze %dma_start3A_342 : memref<1x1x32xf32, #tpu.memory_space<vmem_shared>> -> memref<32xf32, #tpu.memory_space<vmem_shared>>
      tpu.enqueue_dma source(%arg9 : memref<32xf32, #tpu.memory_space<vmem>>) target(%dma_start3A_343 : memref<32xf32, #tpu.memory_space<vmem_shared>>) target_semaphore(%run_scoped3A_338 : memref<!tpu.dma_semaphore, #tpu.memory_space<semaphore_mem>>)
      %dma_wait3A = arith.constant 0 : i32
      %dma_wait3A_344 = tpu.memref_slice %arg11[%run_scoped3A_198, %arg1, %dma_wait3A] : memref<16x16x32xf32, #tpu.memory_space<vmem_shared>> -> memref<1x1x32xf32, #tpu.memory_space<vmem_shared>>
      %dma_wait3A_345 = tpu.memref_squeeze %dma_wait3A_344 : memref<1x1x32xf32, #tpu.memory_space<vmem_shared>> -> memref<32xf32, #tpu.memory_space<vmem_shared>>
      %dma_wait3A_346 = arith.constant 0 : i32
      %dma_wait3A_347 = tpu.memref_slice %arg11[%run_scoped3A_198, %arg1, %dma_wait3A_346] : memref<16x16x32xf32, #tpu.memory_space<vmem_shared>> -> memref<1x1x32xf32, #tpu.memory_space<vmem_shared>>
      %dma_wait3A_348 = tpu.memref_squeeze %dma_wait3A_347 : memref<1x1x32xf32, #tpu.memory_space<vmem_shared>> -> memref<32xf32, #tpu.memory_space<vmem_shared>>
      tpu.wait_dma2 semaphore(%run_scoped3A_338 : memref<!tpu.dma_semaphore, #tpu.memory_space<semaphore_mem>>) src(%arg9 : memref<32xf32, #tpu.memory_space<vmem>>) dst(%dma_wait3A_348 : memref<32xf32, #tpu.memory_space<vmem_shared>>)
      tpu.yield
    }) : () -> ()
    %get3A_199 = arith.constant 224 : index
    %get3A_200 = tpu.vector_load %arg7[%get3A_199] {strides = array<i32>} : memref<272xf32, #tpu.memory_space<vmem>>, vector<16xf32>,
    %swap3A_201 = arith.constant 0 : index
    %swap3A_202 = tpu.vector_load %arg9[%swap3A_201] {strides = array<i32>} : memref<32xf32, #tpu.memory_space<vmem>>, vector<16xf32>,
    tpu.vector_store %arg9[%swap3A_201], %get3A_200 {strides = array<i32>} : memref<32xf32, #tpu.memory_space<vmem>>, vector<16xf32>,
    %get3A_203 = arith.constant 224 : index
    %get3A_204 = tpu.vector_load %arg8[%get3A_203] {strides = array<i32>} : memref<272xf32, #tpu.memory_space<vmem>>, vector<16xf32>,
    %swap3A_205 = arith.constant 16 : index
    %swap3A_206 = tpu.vector_load %arg9[%swap3A_205] {strides = array<i32>} : memref<32xf32, #tpu.memory_space<vmem>>, vector<16xf32>,
    tpu.vector_store %arg9[%swap3A_205], %get3A_204 {strides = array<i32>} : memref<32xf32, #tpu.memory_space<vmem>>, vector<16xf32>,
    %run_scoped3A_207 = arith.constant 14 : i32
    "tpu.region"() ({
      %run_scoped3A_338 = tpu.sem_alloc : memref<!tpu.dma_semaphore, #tpu.memory_space<semaphore_mem>>
      %dma_start3A = arith.constant 0 : i32
      %dma_start3A_339 = tpu.memref_slice %arg11[%run_scoped3A_207, %arg1, %dma_start3A] : memref<16x16x32xf32, #tpu.memory_space<vmem_shared>> -> memref<1x1x32xf32, #tpu.memory_space<vmem_shared>>
      %dma_start3A_340 = tpu.memref_squeeze %dma_start3A_339 : memref<1x1x32xf32, #tpu.memory_space<vmem_shared>> -> memref<32xf32, #tpu.memory_space<vmem_shared>>
      %dma_start3A_341 = arith.constant 0 : i32
      %dma_start3A_342 = tpu.memref_slice %arg11[%run_scoped3A_207, %arg1, %dma_start3A_341] : memref<16x16x32xf32, #tpu.memory_space<vmem_shared>> -> memref<1x1x32xf32, #tpu.memory_space<vmem_shared>>
      %dma_start3A_343 = tpu.memref_squeeze %dma_start3A_342 : memref<1x1x32xf32, #tpu.memory_space<vmem_shared>> -> memref<32xf32, #tpu.memory_space<vmem_shared>>
      tpu.enqueue_dma source(%arg9 : memref<32xf32, #tpu.memory_space<vmem>>) target(%dma_start3A_343 : memref<32xf32, #tpu.memory_space<vmem_shared>>) target_semaphore(%run_scoped3A_338 : memref<!tpu.dma_semaphore, #tpu.memory_space<semaphore_mem>>)
      %dma_wait3A = arith.constant 0 : i32
      %dma_wait3A_344 = tpu.memref_slice %arg11[%run_scoped3A_207, %arg1, %dma_wait3A] : memref<16x16x32xf32, #tpu.memory_space<vmem_shared>> -> memref<1x1x32xf32, #tpu.memory_space<vmem_shared>>
      %dma_wait3A_345 = tpu.memref_squeeze %dma_wait3A_344 : memref<1x1x32xf32, #tpu.memory_space<vmem_shared>> -> memref<32xf32, #tpu.memory_space<vmem_shared>>
      %dma_wait3A_346 = arith.constant 0 : i32
      %dma_wait3A_347 = tpu.memref_slice %arg11[%run_scoped3A_207, %arg1, %dma_wait3A_346] : memref<16x16x32xf32, #tpu.memory_space<vmem_shared>> -> memref<1x1x32xf32, #tpu.memory_space<vmem_shared>>
      %dma_wait3A_348 = tpu.memref_squeeze %dma_wait3A_347 : memref<1x1x32xf32, #tpu.memory_space<vmem_shared>> -> memref<32xf32, #tpu.memory_space<vmem_shared>>
      tpu.wait_dma2 semaphore(%run_scoped3A_338 : memref<!tpu.dma_semaphore, #tpu.memory_space<semaphore_mem>>) src(%arg9 : memref<32xf32, #tpu.memory_space<vmem>>) dst(%dma_wait3A_348 : memref<32xf32, #tpu.memory_space<vmem_shared>>)
      tpu.yield
    }) : () -> ()
    %get3A_208 = arith.constant 240 : index
    %get3A_209 = tpu.vector_load %arg7[%get3A_208] {strides = array<i32>} : memref<272xf32, #tpu.memory_space<vmem>>, vector<16xf32>,
    %swap3A_210 = arith.constant 0 : index
    %swap3A_211 = tpu.vector_load %arg9[%swap3A_210] {strides = array<i32>} : memref<32xf32, #tpu.memory_space<vmem>>, vector<16xf32>,
    tpu.vector_store %arg9[%swap3A_210], %get3A_209 {strides = array<i32>} : memref<32xf32, #tpu.memory_space<vmem>>, vector<16xf32>,
    %get3A_212 = arith.constant 240 : index
    %get3A_213 = tpu.vector_load %arg8[%get3A_212] {strides = array<i32>} : memref<272xf32, #tpu.memory_space<vmem>>, vector<16xf32>,
    %swap3A_214 = arith.constant 16 : index
    %swap3A_215 = tpu.vector_load %arg9[%swap3A_214] {strides = array<i32>} : memref<32xf32, #tpu.memory_space<vmem>>, vector<16xf32>,
    tpu.vector_store %arg9[%swap3A_214], %get3A_213 {strides = array<i32>} : memref<32xf32, #tpu.memory_space<vmem>>, vector<16xf32>,
    %run_scoped3A_216 = arith.constant 15 : i32
    "tpu.region"() ({
      %run_scoped3A_338 = tpu.sem_alloc : memref<!tpu.dma_semaphore, #tpu.memory_space<semaphore_mem>>
      %dma_start3A = arith.constant 0 : i32
      %dma_start3A_339 = tpu.memref_slice %arg11[%run_scoped3A_216, %arg1, %dma_start3A] : memref<16x16x32xf32, #tpu.memory_space<vmem_shared>> -> memref<1x1x32xf32, #tpu.memory_space<vmem_shared>>
      %dma_start3A_340 = tpu.memref_squeeze %dma_start3A_339 : memref<1x1x32xf32, #tpu.memory_space<vmem_shared>> -> memref<32xf32, #tpu.memory_space<vmem_shared>>
      %dma_start3A_341 = arith.constant 0 : i32
      %dma_start3A_342 = tpu.memref_slice %arg11[%run_scoped3A_216, %arg1, %dma_start3A_341] : memref<16x16x32xf32, #tpu.memory_space<vmem_shared>> -> memref<1x1x32xf32, #tpu.memory_space<vmem_shared>>
      %dma_start3A_343 = tpu.memref_squeeze %dma_start3A_342 : memref<1x1x32xf32, #tpu.memory_space<vmem_shared>> -> memref<32xf32, #tpu.memory_space<vmem_shared>>
      tpu.enqueue_dma source(%arg9 : memref<32xf32, #tpu.memory_space<vmem>>) target(%dma_start3A_343 : memref<32xf32, #tpu.memory_space<vmem_shared>>) target_semaphore(%run_scoped3A_338 : memref<!tpu.dma_semaphore, #tpu.memory_space<semaphore_mem>>)
      %dma_wait3A = arith.constant 0 : i32
      %dma_wait3A_344 = tpu.memref_slice %arg11[%run_scoped3A_216, %arg1, %dma_wait3A] : memref<16x16x32xf32, #tpu.memory_space<vmem_shared>> -> memref<1x1x32xf32, #tpu.memory_space<vmem_shared>>
      %dma_wait3A_345 = tpu.memref_squeeze %dma_wait3A_344 : memref<1x1x32xf32, #tpu.memory_space<vmem_shared>> -> memref<32xf32, #tpu.memory_space<vmem_shared>>
      %dma_wait3A_346 = arith.constant 0 : i32
      %dma_wait3A_347 = tpu.memref_slice %arg11[%run_scoped3A_216, %arg1, %dma_wait3A_346] : memref<16x16x32xf32, #tpu.memory_space<vmem_shared>> -> memref<1x1x32xf32, #tpu.memory_space<vmem_shared>>
      %dma_wait3A_348 = tpu.memref_squeeze %dma_wait3A_347 : memref<1x1x32xf32, #tpu.memory_space<vmem_shared>> -> memref<32xf32, #tpu.memory_space<vmem_shared>>
      tpu.wait_dma2 semaphore(%run_scoped3A_338 : memref<!tpu.dma_semaphore, #tpu.memory_space<semaphore_mem>>) src(%arg9 : memref<32xf32, #tpu.memory_space<vmem>>) dst(%dma_wait3A_348 : memref<32xf32, #tpu.memory_space<vmem_shared>>)
      tpu.yield
    }) : () -> ()
    %barrier3A = arith.constant 0 : index
    tpu.barrier barrier_id(%barrier3A)
    %broadcast_in_dim3A_217 = arith.constant 0.000000e+00 : f32
    %broadcast_in_dim3A_218 = vector.broadcast %broadcast_in_dim3A_217 : f32 to vector<16xf32>
    %broadcast_in_dim3A_219 = arith.constant 0.000000e+00 : f32
    %broadcast_in_dim3A_220 = vector.broadcast %broadcast_in_dim3A_219 : f32 to vector<16xf32>
    %run_scoped3A_221 = arith.constant 0 : i32
    "tpu.region"() ({
      %run_scoped3A_338 = tpu.sem_alloc : memref<!tpu.dma_semaphore, #tpu.memory_space<semaphore_mem>>
      %dma_start3A = arith.constant 0 : i32
      %dma_start3A_339 = tpu.memref_slice %arg11[%arg1, %run_scoped3A_221, %dma_start3A] : memref<16x16x32xf32, #tpu.memory_space<vmem_shared>> -> memref<1x1x32xf32, #tpu.memory_space<vmem_shared>>
      %dma_start3A_340 = tpu.memref_squeeze %dma_start3A_339 : memref<1x1x32xf32, #tpu.memory_space<vmem_shared>> -> memref<32xf32, #tpu.memory_space<vmem_shared>>
      %dma_start3A_341 = arith.constant 0 : i32
      %dma_start3A_342 = tpu.memref_slice %arg11[%arg1, %run_scoped3A_221, %dma_start3A_341] : memref<16x16x32xf32, #tpu.memory_space<vmem_shared>> -> memref<1x1x32xf32, #tpu.memory_space<vmem_shared>>
      %dma_start3A_343 = tpu.memref_squeeze %dma_start3A_342 : memref<1x1x32xf32, #tpu.memory_space<vmem_shared>> -> memref<32xf32, #tpu.memory_space<vmem_shared>>
      tpu.enqueue_dma source(%dma_start3A_343 : memref<32xf32, #tpu.memory_space<vmem_shared>>) target(%arg9 : memref<32xf32, #tpu.memory_space<vmem>>) target_semaphore(%run_scoped3A_338 : memref<!tpu.dma_semaphore, #tpu.memory_space<semaphore_mem>>)
      %dma_wait3A = arith.constant 0 : i32
      %dma_wait3A_344 = tpu.memref_slice %arg11[%arg1, %run_scoped3A_221, %dma_wait3A] : memref<16x16x32xf32, #tpu.memory_space<vmem_shared>> -> memref<1x1x32xf32, #tpu.memory_space<vmem_shared>>
      %dma_wait3A_345 = tpu.memref_squeeze %dma_wait3A_344 : memref<1x1x32xf32, #tpu.memory_space<vmem_shared>> -> memref<32xf32, #tpu.memory_space<vmem_shared>>
      %dma_wait3A_346 = arith.constant 0 : i32
      %dma_wait3A_347 = tpu.memref_slice %arg11[%arg1, %run_scoped3A_221, %dma_wait3A_346] : memref<16x16x32xf32, #tpu.memory_space<vmem_shared>> -> memref<1x1x32xf32, #tpu.memory_space<vmem_shared>>
      %dma_wait3A_348 = tpu.memref_squeeze %dma_wait3A_347 : memref<1x1x32xf32, #tpu.memory_space<vmem_shared>> -> memref<32xf32, #tpu.memory_space<vmem_shared>>
      tpu.wait_dma2 semaphore(%run_scoped3A_338 : memref<!tpu.dma_semaphore, #tpu.memory_space<semaphore_mem>>) src(%dma_wait3A_348 : memref<32xf32, #tpu.memory_space<vmem_shared>>) dst(%arg9 : memref<32xf32, #tpu.memory_space<vmem>>)
      tpu.yield
    }) : () -> ()
    %get3A_222 = arith.constant 0 : index
    %get3A_223 = tpu.vector_load %arg9[%get3A_222] {strides = array<i32>} : memref<32xf32, #tpu.memory_space<vmem>>, vector<16xf32>,
    %add3A = arith.addf %broadcast_in_dim3A_218, %get3A_223 : vector<16xf32>
    %get3A_224 = arith.constant 16 : index
    %get3A_225 = tpu.vector_load %arg9[%get3A_224] {strides = array<i32>} : memref<32xf32, #tpu.memory_space<vmem>>, vector<16xf32>,
    %add3A_226 = arith.addf %broadcast_in_dim3A_220, %get3A_225 : vector<16xf32>
    %run_scoped3A_227 = arith.constant 1 : i32
    "tpu.region"() ({
      %run_scoped3A_338 = tpu.sem_alloc : memref<!tpu.dma_semaphore, #tpu.memory_space<semaphore_mem>>
      %dma_start3A = arith.constant 0 : i32
      %dma_start3A_339 = tpu.memref_slice %arg11[%arg1, %run_scoped3A_227, %dma_start3A] : memref<16x16x32xf32, #tpu.memory_space<vmem_shared>> -> memref<1x1x32xf32, #tpu.memory_space<vmem_shared>>
      %dma_start3A_340 = tpu.memref_squeeze %dma_start3A_339 : memref<1x1x32xf32, #tpu.memory_space<vmem_shared>> -> memref<32xf32, #tpu.memory_space<vmem_shared>>
      %dma_start3A_341 = arith.constant 0 : i32
      %dma_start3A_342 = tpu.memref_slice %arg11[%arg1, %run_scoped3A_227, %dma_start3A_341] : memref<16x16x32xf32, #tpu.memory_space<vmem_shared>> -> memref<1x1x32xf32, #tpu.memory_space<vmem_shared>>
      %dma_start3A_343 = tpu.memref_squeeze %dma_start3A_342 : memref<1x1x32xf32, #tpu.memory_space<vmem_shared>> -> memref<32xf32, #tpu.memory_space<vmem_shared>>
      tpu.enqueue_dma source(%dma_start3A_343 : memref<32xf32, #tpu.memory_space<vmem_shared>>) target(%arg9 : memref<32xf32, #tpu.memory_space<vmem>>) target_semaphore(%run_scoped3A_338 : memref<!tpu.dma_semaphore, #tpu.memory_space<semaphore_mem>>)
      %dma_wait3A = arith.constant 0 : i32
      %dma_wait3A_344 = tpu.memref_slice %arg11[%arg1, %run_scoped3A_227, %dma_wait3A] : memref<16x16x32xf32, #tpu.memory_space<vmem_shared>> -> memref<1x1x32xf32, #tpu.memory_space<vmem_shared>>
      %dma_wait3A_345 = tpu.memref_squeeze %dma_wait3A_344 : memref<1x1x32xf32, #tpu.memory_space<vmem_shared>> -> memref<32xf32, #tpu.memory_space<vmem_shared>>
      %dma_wait3A_346 = arith.constant 0 : i32
      %dma_wait3A_347 = tpu.memref_slice %arg11[%arg1, %run_scoped3A_227, %dma_wait3A_346] : memref<16x16x32xf32, #tpu.memory_space<vmem_shared>> -> memref<1x1x32xf32, #tpu.memory_space<vmem_shared>>
      %dma_wait3A_348 = tpu.memref_squeeze %dma_wait3A_347 : memref<1x1x32xf32, #tpu.memory_space<vmem_shared>> -> memref<32xf32, #tpu.memory_space<vmem_shared>>
      tpu.wait_dma2 semaphore(%run_scoped3A_338 : memref<!tpu.dma_semaphore, #tpu.memory_space<semaphore_mem>>) src(%dma_wait3A_348 : memref<32xf32, #tpu.memory_space<vmem_shared>>) dst(%arg9 : memref<32xf32, #tpu.memory_space<vmem>>)
      tpu.yield
    }) : () -> ()
    %get3A_228 = arith.constant 0 : index
    %get3A_229 = tpu.vector_load %arg9[%get3A_228] {strides = array<i32>} : memref<32xf32, #tpu.memory_space<vmem>>, vector<16xf32>,
    %add3A_230 = arith.addf %add3A, %get3A_229 : vector<16xf32>
    %get3A_231 = arith.constant 16 : index
    %get3A_232 = tpu.vector_load %arg9[%get3A_231] {strides = array<i32>} : memref<32xf32, #tpu.memory_space<vmem>>, vector<16xf32>,
    %add3A_233 = arith.addf %add3A_226, %get3A_232 : vector<16xf32>
    %run_scoped3A_234 = arith.constant 2 : i32
    "tpu.region"() ({
      %run_scoped3A_338 = tpu.sem_alloc : memref<!tpu.dma_semaphore, #tpu.memory_space<semaphore_mem>>
      %dma_start3A = arith.constant 0 : i32
      %dma_start3A_339 = tpu.memref_slice %arg11[%arg1, %run_scoped3A_234, %dma_start3A] : memref<16x16x32xf32, #tpu.memory_space<vmem_shared>> -> memref<1x1x32xf32, #tpu.memory_space<vmem_shared>>
      %dma_start3A_340 = tpu.memref_squeeze %dma_start3A_339 : memref<1x1x32xf32, #tpu.memory_space<vmem_shared>> -> memref<32xf32, #tpu.memory_space<vmem_shared>>
      %dma_start3A_341 = arith.constant 0 : i32
      %dma_start3A_342 = tpu.memref_slice %arg11[%arg1, %run_scoped3A_234, %dma_start3A_341] : memref<16x16x32xf32, #tpu.memory_space<vmem_shared>> -> memref<1x1x32xf32, #tpu.memory_space<vmem_shared>>
      %dma_start3A_343 = tpu.memref_squeeze %dma_start3A_342 : memref<1x1x32xf32, #tpu.memory_space<vmem_shared>> -> memref<32xf32, #tpu.memory_space<vmem_shared>>
      tpu.enqueue_dma source(%dma_start3A_343 : memref<32xf32, #tpu.memory_space<vmem_shared>>) target(%arg9 : memref<32xf32, #tpu.memory_space<vmem>>) target_semaphore(%run_scoped3A_338 : memref<!tpu.dma_semaphore, #tpu.memory_space<semaphore_mem>>)
      %dma_wait3A = arith.constant 0 : i32
      %dma_wait3A_344 = tpu.memref_slice %arg11[%arg1, %run_scoped3A_234, %dma_wait3A] : memref<16x16x32xf32, #tpu.memory_space<vmem_shared>> -> memref<1x1x32xf32, #tpu.memory_space<vmem_shared>>
      %dma_wait3A_345 = tpu.memref_squeeze %dma_wait3A_344 : memref<1x1x32xf32, #tpu.memory_space<vmem_shared>> -> memref<32xf32, #tpu.memory_space<vmem_shared>>
      %dma_wait3A_346 = arith.constant 0 : i32
      %dma_wait3A_347 = tpu.memref_slice %arg11[%arg1, %run_scoped3A_234, %dma_wait3A_346] : memref<16x16x32xf32, #tpu.memory_space<vmem_shared>> -> memref<1x1x32xf32, #tpu.memory_space<vmem_shared>>
      %dma_wait3A_348 = tpu.memref_squeeze %dma_wait3A_347 : memref<1x1x32xf32, #tpu.memory_space<vmem_shared>> -> memref<32xf32, #tpu.memory_space<vmem_shared>>
      tpu.wait_dma2 semaphore(%run_scoped3A_338 : memref<!tpu.dma_semaphore, #tpu.memory_space<semaphore_mem>>) src(%dma_wait3A_348 : memref<32xf32, #tpu.memory_space<vmem_shared>>) dst(%arg9 : memref<32xf32, #tpu.memory_space<vmem>>)
      tpu.yield
    }) : () -> ()
    %get3A_235 = arith.constant 0 : index
    %get3A_236 = tpu.vector_load %arg9[%get3A_235] {strides = array<i32>} : memref<32xf32, #tpu.memory_space<vmem>>, vector<16xf32>,
    %add3A_237 = arith.addf %add3A_230, %get3A_236 : vector<16xf32>
    %get3A_238 = arith.constant 16 : index
    %get3A_239 = tpu.vector_load %arg9[%get3A_238] {strides = array<i32>} : memref<32xf32, #tpu.memory_space<vmem>>, vector<16xf32>,
    %add3A_240 = arith.addf %add3A_233, %get3A_239 : vector<16xf32>
    %run_scoped3A_241 = arith.constant 3 : i32
    "tpu.region"() ({
      %run_scoped3A_338 = tpu.sem_alloc : memref<!tpu.dma_semaphore, #tpu.memory_space<semaphore_mem>>
      %dma_start3A = arith.constant 0 : i32
      %dma_start3A_339 = tpu.memref_slice %arg11[%arg1, %run_scoped3A_241, %dma_start3A] : memref<16x16x32xf32, #tpu.memory_space<vmem_shared>> -> memref<1x1x32xf32, #tpu.memory_space<vmem_shared>>
      %dma_start3A_340 = tpu.memref_squeeze %dma_start3A_339 : memref<1x1x32xf32, #tpu.memory_space<vmem_shared>> -> memref<32xf32, #tpu.memory_space<vmem_shared>>
      %dma_start3A_341 = arith.constant 0 : i32
      %dma_start3A_342 = tpu.memref_slice %arg11[%arg1, %run_scoped3A_241, %dma_start3A_341] : memref<16x16x32xf32, #tpu.memory_space<vmem_shared>> -> memref<1x1x32xf32, #tpu.memory_space<vmem_shared>>
      %dma_start3A_343 = tpu.memref_squeeze %dma_start3A_342 : memref<1x1x32xf32, #tpu.memory_space<vmem_shared>> -> memref<32xf32, #tpu.memory_space<vmem_shared>>
      tpu.enqueue_dma source(%dma_start3A_343 : memref<32xf32, #tpu.memory_space<vmem_shared>>) target(%arg9 : memref<32xf32, #tpu.memory_space<vmem>>) target_semaphore(%run_scoped3A_338 : memref<!tpu.dma_semaphore, #tpu.memory_space<semaphore_mem>>)
      %dma_wait3A = arith.constant 0 : i32
      %dma_wait3A_344 = tpu.memref_slice %arg11[%arg1, %run_scoped3A_241, %dma_wait3A] : memref<16x16x32xf32, #tpu.memory_space<vmem_shared>> -> memref<1x1x32xf32, #tpu.memory_space<vmem_shared>>
      %dma_wait3A_345 = tpu.memref_squeeze %dma_wait3A_344 : memref<1x1x32xf32, #tpu.memory_space<vmem_shared>> -> memref<32xf32, #tpu.memory_space<vmem_shared>>
      %dma_wait3A_346 = arith.constant 0 : i32
      %dma_wait3A_347 = tpu.memref_slice %arg11[%arg1, %run_scoped3A_241, %dma_wait3A_346] : memref<16x16x32xf32, #tpu.memory_space<vmem_shared>> -> memref<1x1x32xf32, #tpu.memory_space<vmem_shared>>
      %dma_wait3A_348 = tpu.memref_squeeze %dma_wait3A_347 : memref<1x1x32xf32, #tpu.memory_space<vmem_shared>> -> memref<32xf32, #tpu.memory_space<vmem_shared>>
      tpu.wait_dma2 semaphore(%run_scoped3A_338 : memref<!tpu.dma_semaphore, #tpu.memory_space<semaphore_mem>>) src(%dma_wait3A_348 : memref<32xf32, #tpu.memory_space<vmem_shared>>) dst(%arg9 : memref<32xf32, #tpu.memory_space<vmem>>)
      tpu.yield
    }) : () -> ()
    %get3A_242 = arith.constant 0 : index
    %get3A_243 = tpu.vector_load %arg9[%get3A_242] {strides = array<i32>} : memref<32xf32, #tpu.memory_space<vmem>>, vector<16xf32>,
    %add3A_244 = arith.addf %add3A_237, %get3A_243 : vector<16xf32>
    %get3A_245 = arith.constant 16 : index
    %get3A_246 = tpu.vector_load %arg9[%get3A_245] {strides = array<i32>} : memref<32xf32, #tpu.memory_space<vmem>>, vector<16xf32>,
    %add3A_247 = arith.addf %add3A_240, %get3A_246 : vector<16xf32>
    %run_scoped3A_248 = arith.constant 4 : i32
    "tpu.region"() ({
      %run_scoped3A_338 = tpu.sem_alloc : memref<!tpu.dma_semaphore, #tpu.memory_space<semaphore_mem>>
      %dma_start3A = arith.constant 0 : i32
      %dma_start3A_339 = tpu.memref_slice %arg11[%arg1, %run_scoped3A_248, %dma_start3A] : memref<16x16x32xf32, #tpu.memory_space<vmem_shared>> -> memref<1x1x32xf32, #tpu.memory_space<vmem_shared>>
      %dma_start3A_340 = tpu.memref_squeeze %dma_start3A_339 : memref<1x1x32xf32, #tpu.memory_space<vmem_shared>> -> memref<32xf32, #tpu.memory_space<vmem_shared>>
      %dma_start3A_341 = arith.constant 0 : i32
      %dma_start3A_342 = tpu.memref_slice %arg11[%arg1, %run_scoped3A_248, %dma_start3A_341] : memref<16x16x32xf32, #tpu.memory_space<vmem_shared>> -> memref<1x1x32xf32, #tpu.memory_space<vmem_shared>>
      %dma_start3A_343 = tpu.memref_squeeze %dma_start3A_342 : memref<1x1x32xf32, #tpu.memory_space<vmem_shared>> -> memref<32xf32, #tpu.memory_space<vmem_shared>>
      tpu.enqueue_dma source(%dma_start3A_343 : memref<32xf32, #tpu.memory_space<vmem_shared>>) target(%arg9 : memref<32xf32, #tpu.memory_space<vmem>>) target_semaphore(%run_scoped3A_338 : memref<!tpu.dma_semaphore, #tpu.memory_space<semaphore_mem>>)
      %dma_wait3A = arith.constant 0 : i32
      %dma_wait3A_344 = tpu.memref_slice %arg11[%arg1, %run_scoped3A_248, %dma_wait3A] : memref<16x16x32xf32, #tpu.memory_space<vmem_shared>> -> memref<1x1x32xf32, #tpu.memory_space<vmem_shared>>
      %dma_wait3A_345 = tpu.memref_squeeze %dma_wait3A_344 : memref<1x1x32xf32, #tpu.memory_space<vmem_shared>> -> memref<32xf32, #tpu.memory_space<vmem_shared>>
      %dma_wait3A_346 = arith.constant 0 : i32
      %dma_wait3A_347 = tpu.memref_slice %arg11[%arg1, %run_scoped3A_248, %dma_wait3A_346] : memref<16x16x32xf32, #tpu.memory_space<vmem_shared>> -> memref<1x1x32xf32, #tpu.memory_space<vmem_shared>>
      %dma_wait3A_348 = tpu.memref_squeeze %dma_wait3A_347 : memref<1x1x32xf32, #tpu.memory_space<vmem_shared>> -> memref<32xf32, #tpu.memory_space<vmem_shared>>
      tpu.wait_dma2 semaphore(%run_scoped3A_338 : memref<!tpu.dma_semaphore, #tpu.memory_space<semaphore_mem>>) src(%dma_wait3A_348 : memref<32xf32, #tpu.memory_space<vmem_shared>>) dst(%arg9 : memref<32xf32, #tpu.memory_space<vmem>>)
      tpu.yield
    }) : () -> ()
    %get3A_249 = arith.constant 0 : index
    %get3A_250 = tpu.vector_load %arg9[%get3A_249] {strides = array<i32>} : memref<32xf32, #tpu.memory_space<vmem>>, vector<16xf32>,
    %add3A_251 = arith.addf %add3A_244, %get3A_250 : vector<16xf32>
    %get3A_252 = arith.constant 16 : index
    %get3A_253 = tpu.vector_load %arg9[%get3A_252] {strides = array<i32>} : memref<32xf32, #tpu.memory_space<vmem>>, vector<16xf32>,
    %add3A_254 = arith.addf %add3A_247, %get3A_253 : vector<16xf32>
    %run_scoped3A_255 = arith.constant 5 : i32
    "tpu.region"() ({
      %run_scoped3A_338 = tpu.sem_alloc : memref<!tpu.dma_semaphore, #tpu.memory_space<semaphore_mem>>
      %dma_start3A = arith.constant 0 : i32
      %dma_start3A_339 = tpu.memref_slice %arg11[%arg1, %run_scoped3A_255, %dma_start3A] : memref<16x16x32xf32, #tpu.memory_space<vmem_shared>> -> memref<1x1x32xf32, #tpu.memory_space<vmem_shared>>
      %dma_start3A_340 = tpu.memref_squeeze %dma_start3A_339 : memref<1x1x32xf32, #tpu.memory_space<vmem_shared>> -> memref<32xf32, #tpu.memory_space<vmem_shared>>
      %dma_start3A_341 = arith.constant 0 : i32
      %dma_start3A_342 = tpu.memref_slice %arg11[%arg1, %run_scoped3A_255, %dma_start3A_341] : memref<16x16x32xf32, #tpu.memory_space<vmem_shared>> -> memref<1x1x32xf32, #tpu.memory_space<vmem_shared>>
      %dma_start3A_343 = tpu.memref_squeeze %dma_start3A_342 : memref<1x1x32xf32, #tpu.memory_space<vmem_shared>> -> memref<32xf32, #tpu.memory_space<vmem_shared>>
      tpu.enqueue_dma source(%dma_start3A_343 : memref<32xf32, #tpu.memory_space<vmem_shared>>) target(%arg9 : memref<32xf32, #tpu.memory_space<vmem>>) target_semaphore(%run_scoped3A_338 : memref<!tpu.dma_semaphore, #tpu.memory_space<semaphore_mem>>)
      %dma_wait3A = arith.constant 0 : i32
      %dma_wait3A_344 = tpu.memref_slice %arg11[%arg1, %run_scoped3A_255, %dma_wait3A] : memref<16x16x32xf32, #tpu.memory_space<vmem_shared>> -> memref<1x1x32xf32, #tpu.memory_space<vmem_shared>>
      %dma_wait3A_345 = tpu.memref_squeeze %dma_wait3A_344 : memref<1x1x32xf32, #tpu.memory_space<vmem_shared>> -> memref<32xf32, #tpu.memory_space<vmem_shared>>
      %dma_wait3A_346 = arith.constant 0 : i32
      %dma_wait3A_347 = tpu.memref_slice %arg11[%arg1, %run_scoped3A_255, %dma_wait3A_346] : memref<16x16x32xf32, #tpu.memory_space<vmem_shared>> -> memref<1x1x32xf32, #tpu.memory_space<vmem_shared>>
      %dma_wait3A_348 = tpu.memref_squeeze %dma_wait3A_347 : memref<1x1x32xf32, #tpu.memory_space<vmem_shared>> -> memref<32xf32, #tpu.memory_space<vmem_shared>>
      tpu.wait_dma2 semaphore(%run_scoped3A_338 : memref<!tpu.dma_semaphore, #tpu.memory_space<semaphore_mem>>) src(%dma_wait3A_348 : memref<32xf32, #tpu.memory_space<vmem_shared>>) dst(%arg9 : memref<32xf32, #tpu.memory_space<vmem>>)
      tpu.yield
    }) : () -> ()
    %get3A_256 = arith.constant 0 : index
    %get3A_257 = tpu.vector_load %arg9[%get3A_256] {strides = array<i32>} : memref<32xf32, #tpu.memory_space<vmem>>, vector<16xf32>,
    %add3A_258 = arith.addf %add3A_251, %get3A_257 : vector<16xf32>
    %get3A_259 = arith.constant 16 : index
    %get3A_260 = tpu.vector_load %arg9[%get3A_259] {strides = array<i32>} : memref<32xf32, #tpu.memory_space<vmem>>, vector<16xf32>,
    %add3A_261 = arith.addf %add3A_254, %get3A_260 : vector<16xf32>
    %run_scoped3A_262 = arith.constant 6 : i32
    "tpu.region"() ({
      %run_scoped3A_338 = tpu.sem_alloc : memref<!tpu.dma_semaphore, #tpu.memory_space<semaphore_mem>>
      %dma_start3A = arith.constant 0 : i32
      %dma_start3A_339 = tpu.memref_slice %arg11[%arg1, %run_scoped3A_262, %dma_start3A] : memref<16x16x32xf32, #tpu.memory_space<vmem_shared>> -> memref<1x1x32xf32, #tpu.memory_space<vmem_shared>>
      %dma_start3A_340 = tpu.memref_squeeze %dma_start3A_339 : memref<1x1x32xf32, #tpu.memory_space<vmem_shared>> -> memref<32xf32, #tpu.memory_space<vmem_shared>>
      %dma_start3A_341 = arith.constant 0 : i32
      %dma_start3A_342 = tpu.memref_slice %arg11[%arg1, %run_scoped3A_262, %dma_start3A_341] : memref<16x16x32xf32, #tpu.memory_space<vmem_shared>> -> memref<1x1x32xf32, #tpu.memory_space<vmem_shared>>
      %dma_start3A_343 = tpu.memref_squeeze %dma_start3A_342 : memref<1x1x32xf32, #tpu.memory_space<vmem_shared>> -> memref<32xf32, #tpu.memory_space<vmem_shared>>
      tpu.enqueue_dma source(%dma_start3A_343 : memref<32xf32, #tpu.memory_space<vmem_shared>>) target(%arg9 : memref<32xf32, #tpu.memory_space<vmem>>) target_semaphore(%run_scoped3A_338 : memref<!tpu.dma_semaphore, #tpu.memory_space<semaphore_mem>>)
      %dma_wait3A = arith.constant 0 : i32
      %dma_wait3A_344 = tpu.memref_slice %arg11[%arg1, %run_scoped3A_262, %dma_wait3A] : memref<16x16x32xf32, #tpu.memory_space<vmem_shared>> -> memref<1x1x32xf32, #tpu.memory_space<vmem_shared>>
      %dma_wait3A_345 = tpu.memref_squeeze %dma_wait3A_344 : memref<1x1x32xf32, #tpu.memory_space<vmem_shared>> -> memref<32xf32, #tpu.memory_space<vmem_shared>>
      %dma_wait3A_346 = arith.constant 0 : i32
      %dma_wait3A_347 = tpu.memref_slice %arg11[%arg1, %run_scoped3A_262, %dma_wait3A_346] : memref<16x16x32xf32, #tpu.memory_space<vmem_shared>> -> memref<1x1x32xf32, #tpu.memory_space<vmem_shared>>
      %dma_wait3A_348 = tpu.memref_squeeze %dma_wait3A_347 : memref<1x1x32xf32, #tpu.memory_space<vmem_shared>> -> memref<32xf32, #tpu.memory_space<vmem_shared>>
      tpu.wait_dma2 semaphore(%run_scoped3A_338 : memref<!tpu.dma_semaphore, #tpu.memory_space<semaphore_mem>>) src(%dma_wait3A_348 : memref<32xf32, #tpu.memory_space<vmem_shared>>) dst(%arg9 : memref<32xf32, #tpu.memory_space<vmem>>)
      tpu.yield
    }) : () -> ()
    %get3A_263 = arith.constant 0 : index
    %get3A_264 = tpu.vector_load %arg9[%get3A_263] {strides = array<i32>} : memref<32xf32, #tpu.memory_space<vmem>>, vector<16xf32>,
    %add3A_265 = arith.addf %add3A_258, %get3A_264 : vector<16xf32>
    %get3A_266 = arith.constant 16 : index
    %get3A_267 = tpu.vector_load %arg9[%get3A_266] {strides = array<i32>} : memref<32xf32, #tpu.memory_space<vmem>>, vector<16xf32>,
    %add3A_268 = arith.addf %add3A_261, %get3A_267 : vector<16xf32>
    %run_scoped3A_269 = arith.constant 7 : i32
    "tpu.region"() ({
      %run_scoped3A_338 = tpu.sem_alloc : memref<!tpu.dma_semaphore, #tpu.memory_space<semaphore_mem>>
      %dma_start3A = arith.constant 0 : i32
      %dma_start3A_339 = tpu.memref_slice %arg11[%arg1, %run_scoped3A_269, %dma_start3A] : memref<16x16x32xf32, #tpu.memory_space<vmem_shared>> -> memref<1x1x32xf32, #tpu.memory_space<vmem_shared>>
      %dma_start3A_340 = tpu.memref_squeeze %dma_start3A_339 : memref<1x1x32xf32, #tpu.memory_space<vmem_shared>> -> memref<32xf32, #tpu.memory_space<vmem_shared>>
      %dma_start3A_341 = arith.constant 0 : i32
      %dma_start3A_342 = tpu.memref_slice %arg11[%arg1, %run_scoped3A_269, %dma_start3A_341] : memref<16x16x32xf32, #tpu.memory_space<vmem_shared>> -> memref<1x1x32xf32, #tpu.memory_space<vmem_shared>>
      %dma_start3A_343 = tpu.memref_squeeze %dma_start3A_342 : memref<1x1x32xf32, #tpu.memory_space<vmem_shared>> -> memref<32xf32, #tpu.memory_space<vmem_shared>>
      tpu.enqueue_dma source(%dma_start3A_343 : memref<32xf32, #tpu.memory_space<vmem_shared>>) target(%arg9 : memref<32xf32, #tpu.memory_space<vmem>>) target_semaphore(%run_scoped3A_338 : memref<!tpu.dma_semaphore, #tpu.memory_space<semaphore_mem>>)
      %dma_wait3A = arith.constant 0 : i32
      %dma_wait3A_344 = tpu.memref_slice %arg11[%arg1, %run_scoped3A_269, %dma_wait3A] : memref<16x16x32xf32, #tpu.memory_space<vmem_shared>> -> memref<1x1x32xf32, #tpu.memory_space<vmem_shared>>
      %dma_wait3A_345 = tpu.memref_squeeze %dma_wait3A_344 : memref<1x1x32xf32, #tpu.memory_space<vmem_shared>> -> memref<32xf32, #tpu.memory_space<vmem_shared>>
      %dma_wait3A_346 = arith.constant 0 : i32
      %dma_wait3A_347 = tpu.memref_slice %arg11[%arg1, %run_scoped3A_269, %dma_wait3A_346] : memref<16x16x32xf32, #tpu.memory_space<vmem_shared>> -> memref<1x1x32xf32, #tpu.memory_space<vmem_shared>>
      %dma_wait3A_348 = tpu.memref_squeeze %dma_wait3A_347 : memref<1x1x32xf32, #tpu.memory_space<vmem_shared>> -> memref<32xf32, #tpu.memory_space<vmem_shared>>
      tpu.wait_dma2 semaphore(%run_scoped3A_338 : memref<!tpu.dma_semaphore, #tpu.memory_space<semaphore_mem>>) src(%dma_wait3A_348 : memref<32xf32, #tpu.memory_space<vmem_shared>>) dst(%arg9 : memref<32xf32, #tpu.memory_space<vmem>>)
      tpu.yield
    }) : () -> ()
    %get3A_270 = arith.constant 0 : index
    %get3A_271 = tpu.vector_load %arg9[%get3A_270] {strides = array<i32>} : memref<32xf32, #tpu.memory_space<vmem>>, vector<16xf32>,
    %add3A_272 = arith.addf %add3A_265, %get3A_271 : vector<16xf32>
    %get3A_273 = arith.constant 16 : index
    %get3A_274 = tpu.vector_load %arg9[%get3A_273] {strides = array<i32>} : memref<32xf32, #tpu.memory_space<vmem>>, vector<16xf32>,
    %add3A_275 = arith.addf %add3A_268, %get3A_274 : vector<16xf32>
    %run_scoped3A_276 = arith.constant 8 : i32
    "tpu.region"() ({
      %run_scoped3A_338 = tpu.sem_alloc : memref<!tpu.dma_semaphore, #tpu.memory_space<semaphore_mem>>
      %dma_start3A = arith.constant 0 : i32
      %dma_start3A_339 = tpu.memref_slice %arg11[%arg1, %run_scoped3A_276, %dma_start3A] : memref<16x16x32xf32, #tpu.memory_space<vmem_shared>> -> memref<1x1x32xf32, #tpu.memory_space<vmem_shared>>
      %dma_start3A_340 = tpu.memref_squeeze %dma_start3A_339 : memref<1x1x32xf32, #tpu.memory_space<vmem_shared>> -> memref<32xf32, #tpu.memory_space<vmem_shared>>
      %dma_start3A_341 = arith.constant 0 : i32
      %dma_start3A_342 = tpu.memref_slice %arg11[%arg1, %run_scoped3A_276, %dma_start3A_341] : memref<16x16x32xf32, #tpu.memory_space<vmem_shared>> -> memref<1x1x32xf32, #tpu.memory_space<vmem_shared>>
      %dma_start3A_343 = tpu.memref_squeeze %dma_start3A_342 : memref<1x1x32xf32, #tpu.memory_space<vmem_shared>> -> memref<32xf32, #tpu.memory_space<vmem_shared>>
      tpu.enqueue_dma source(%dma_start3A_343 : memref<32xf32, #tpu.memory_space<vmem_shared>>) target(%arg9 : memref<32xf32, #tpu.memory_space<vmem>>) target_semaphore(%run_scoped3A_338 : memref<!tpu.dma_semaphore, #tpu.memory_space<semaphore_mem>>)
      %dma_wait3A = arith.constant 0 : i32
      %dma_wait3A_344 = tpu.memref_slice %arg11[%arg1, %run_scoped3A_276, %dma_wait3A] : memref<16x16x32xf32, #tpu.memory_space<vmem_shared>> -> memref<1x1x32xf32, #tpu.memory_space<vmem_shared>>
      %dma_wait3A_345 = tpu.memref_squeeze %dma_wait3A_344 : memref<1x1x32xf32, #tpu.memory_space<vmem_shared>> -> memref<32xf32, #tpu.memory_space<vmem_shared>>
      %dma_wait3A_346 = arith.constant 0 : i32
      %dma_wait3A_347 = tpu.memref_slice %arg11[%arg1, %run_scoped3A_276, %dma_wait3A_346] : memref<16x16x32xf32, #tpu.memory_space<vmem_shared>> -> memref<1x1x32xf32, #tpu.memory_space<vmem_shared>>
      %dma_wait3A_348 = tpu.memref_squeeze %dma_wait3A_347 : memref<1x1x32xf32, #tpu.memory_space<vmem_shared>> -> memref<32xf32, #tpu.memory_space<vmem_shared>>
      tpu.wait_dma2 semaphore(%run_scoped3A_338 : memref<!tpu.dma_semaphore, #tpu.memory_space<semaphore_mem>>) src(%dma_wait3A_348 : memref<32xf32, #tpu.memory_space<vmem_shared>>) dst(%arg9 : memref<32xf32, #tpu.memory_space<vmem>>)
      tpu.yield
    }) : () -> ()
    %get3A_277 = arith.constant 0 : index
    %get3A_278 = tpu.vector_load %arg9[%get3A_277] {strides = array<i32>} : memref<32xf32, #tpu.memory_space<vmem>>, vector<16xf32>,
    %add3A_279 = arith.addf %add3A_272, %get3A_278 : vector<16xf32>
    %get3A_280 = arith.constant 16 : index
    %get3A_281 = tpu.vector_load %arg9[%get3A_280] {strides = array<i32>} : memref<32xf32, #tpu.memory_space<vmem>>, vector<16xf32>,
    %add3A_282 = arith.addf %add3A_275, %get3A_281 : vector<16xf32>
    %run_scoped3A_283 = arith.constant 9 : i32
    "tpu.region"() ({
      %run_scoped3A_338 = tpu.sem_alloc : memref<!tpu.dma_semaphore, #tpu.memory_space<semaphore_mem>>
      %dma_start3A = arith.constant 0 : i32
      %dma_start3A_339 = tpu.memref_slice %arg11[%arg1, %run_scoped3A_283, %dma_start3A] : memref<16x16x32xf32, #tpu.memory_space<vmem_shared>> -> memref<1x1x32xf32, #tpu.memory_space<vmem_shared>>
      %dma_start3A_340 = tpu.memref_squeeze %dma_start3A_339 : memref<1x1x32xf32, #tpu.memory_space<vmem_shared>> -> memref<32xf32, #tpu.memory_space<vmem_shared>>
      %dma_start3A_341 = arith.constant 0 : i32
      %dma_start3A_342 = tpu.memref_slice %arg11[%arg1, %run_scoped3A_283, %dma_start3A_341] : memref<16x16x32xf32, #tpu.memory_space<vmem_shared>> -> memref<1x1x32xf32, #tpu.memory_space<vmem_shared>>
      %dma_start3A_343 = tpu.memref_squeeze %dma_start3A_342 : memref<1x1x32xf32, #tpu.memory_space<vmem_shared>> -> memref<32xf32, #tpu.memory_space<vmem_shared>>
      tpu.enqueue_dma source(%dma_start3A_343 : memref<32xf32, #tpu.memory_space<vmem_shared>>) target(%arg9 : memref<32xf32, #tpu.memory_space<vmem>>) target_semaphore(%run_scoped3A_338 : memref<!tpu.dma_semaphore, #tpu.memory_space<semaphore_mem>>)
      %dma_wait3A = arith.constant 0 : i32
      %dma_wait3A_344 = tpu.memref_slice %arg11[%arg1, %run_scoped3A_283, %dma_wait3A] : memref<16x16x32xf32, #tpu.memory_space<vmem_shared>> -> memref<1x1x32xf32, #tpu.memory_space<vmem_shared>>
      %dma_wait3A_345 = tpu.memref_squeeze %dma_wait3A_344 : memref<1x1x32xf32, #tpu.memory_space<vmem_shared>> -> memref<32xf32, #tpu.memory_space<vmem_shared>>
      %dma_wait3A_346 = arith.constant 0 : i32
      %dma_wait3A_347 = tpu.memref_slice %arg11[%arg1, %run_scoped3A_283, %dma_wait3A_346] : memref<16x16x32xf32, #tpu.memory_space<vmem_shared>> -> memref<1x1x32xf32, #tpu.memory_space<vmem_shared>>
      %dma_wait3A_348 = tpu.memref_squeeze %dma_wait3A_347 : memref<1x1x32xf32, #tpu.memory_space<vmem_shared>> -> memref<32xf32, #tpu.memory_space<vmem_shared>>
      tpu.wait_dma2 semaphore(%run_scoped3A_338 : memref<!tpu.dma_semaphore, #tpu.memory_space<semaphore_mem>>) src(%dma_wait3A_348 : memref<32xf32, #tpu.memory_space<vmem_shared>>) dst(%arg9 : memref<32xf32, #tpu.memory_space<vmem>>)
      tpu.yield
    }) : () -> ()
    %get3A_284 = arith.constant 0 : index
    %get3A_285 = tpu.vector_load %arg9[%get3A_284] {strides = array<i32>} : memref<32xf32, #tpu.memory_space<vmem>>, vector<16xf32>,
    %add3A_286 = arith.addf %add3A_279, %get3A_285 : vector<16xf32>
    %get3A_287 = arith.constant 16 : index
    %get3A_288 = tpu.vector_load %arg9[%get3A_287] {strides = array<i32>} : memref<32xf32, #tpu.memory_space<vmem>>, vector<16xf32>,
    %add3A_289 = arith.addf %add3A_282, %get3A_288 : vector<16xf32>
    %run_scoped3A_290 = arith.constant 10 : i32
    "tpu.region"() ({
      %run_scoped3A_338 = tpu.sem_alloc : memref<!tpu.dma_semaphore, #tpu.memory_space<semaphore_mem>>
      %dma_start3A = arith.constant 0 : i32
      %dma_start3A_339 = tpu.memref_slice %arg11[%arg1, %run_scoped3A_290, %dma_start3A] : memref<16x16x32xf32, #tpu.memory_space<vmem_shared>> -> memref<1x1x32xf32, #tpu.memory_space<vmem_shared>>
      %dma_start3A_340 = tpu.memref_squeeze %dma_start3A_339 : memref<1x1x32xf32, #tpu.memory_space<vmem_shared>> -> memref<32xf32, #tpu.memory_space<vmem_shared>>
      %dma_start3A_341 = arith.constant 0 : i32
      %dma_start3A_342 = tpu.memref_slice %arg11[%arg1, %run_scoped3A_290, %dma_start3A_341] : memref<16x16x32xf32, #tpu.memory_space<vmem_shared>> -> memref<1x1x32xf32, #tpu.memory_space<vmem_shared>>
      %dma_start3A_343 = tpu.memref_squeeze %dma_start3A_342 : memref<1x1x32xf32, #tpu.memory_space<vmem_shared>> -> memref<32xf32, #tpu.memory_space<vmem_shared>>
      tpu.enqueue_dma source(%dma_start3A_343 : memref<32xf32, #tpu.memory_space<vmem_shared>>) target(%arg9 : memref<32xf32, #tpu.memory_space<vmem>>) target_semaphore(%run_scoped3A_338 : memref<!tpu.dma_semaphore, #tpu.memory_space<semaphore_mem>>)
      %dma_wait3A = arith.constant 0 : i32
      %dma_wait3A_344 = tpu.memref_slice %arg11[%arg1, %run_scoped3A_290, %dma_wait3A] : memref<16x16x32xf32, #tpu.memory_space<vmem_shared>> -> memref<1x1x32xf32, #tpu.memory_space<vmem_shared>>
      %dma_wait3A_345 = tpu.memref_squeeze %dma_wait3A_344 : memref<1x1x32xf32, #tpu.memory_space<vmem_shared>> -> memref<32xf32, #tpu.memory_space<vmem_shared>>
      %dma_wait3A_346 = arith.constant 0 : i32
      %dma_wait3A_347 = tpu.memref_slice %arg11[%arg1, %run_scoped3A_290, %dma_wait3A_346] : memref<16x16x32xf32, #tpu.memory_space<vmem_shared>> -> memref<1x1x32xf32, #tpu.memory_space<vmem_shared>>
      %dma_wait3A_348 = tpu.memref_squeeze %dma_wait3A_347 : memref<1x1x32xf32, #tpu.memory_space<vmem_shared>> -> memref<32xf32, #tpu.memory_space<vmem_shared>>
      tpu.wait_dma2 semaphore(%run_scoped3A_338 : memref<!tpu.dma_semaphore, #tpu.memory_space<semaphore_mem>>) src(%dma_wait3A_348 : memref<32xf32, #tpu.memory_space<vmem_shared>>) dst(%arg9 : memref<32xf32, #tpu.memory_space<vmem>>)
      tpu.yield
    }) : () -> ()
    %get3A_291 = arith.constant 0 : index
    %get3A_292 = tpu.vector_load %arg9[%get3A_291] {strides = array<i32>} : memref<32xf32, #tpu.memory_space<vmem>>, vector<16xf32>,
    %add3A_293 = arith.addf %add3A_286, %get3A_292 : vector<16xf32>
    %get3A_294 = arith.constant 16 : index
    %get3A_295 = tpu.vector_load %arg9[%get3A_294] {strides = array<i32>} : memref<32xf32, #tpu.memory_space<vmem>>, vector<16xf32>,
    %add3A_296 = arith.addf %add3A_289, %get3A_295 : vector<16xf32>
    %run_scoped3A_297 = arith.constant 11 : i32
    "tpu.region"() ({
      %run_scoped3A_338 = tpu.sem_alloc : memref<!tpu.dma_semaphore, #tpu.memory_space<semaphore_mem>>
      %dma_start3A = arith.constant 0 : i32
      %dma_start3A_339 = tpu.memref_slice %arg11[%arg1, %run_scoped3A_297, %dma_start3A] : memref<16x16x32xf32, #tpu.memory_space<vmem_shared>> -> memref<1x1x32xf32, #tpu.memory_space<vmem_shared>>
      %dma_start3A_340 = tpu.memref_squeeze %dma_start3A_339 : memref<1x1x32xf32, #tpu.memory_space<vmem_shared>> -> memref<32xf32, #tpu.memory_space<vmem_shared>>
      %dma_start3A_341 = arith.constant 0 : i32
      %dma_start3A_342 = tpu.memref_slice %arg11[%arg1, %run_scoped3A_297, %dma_start3A_341] : memref<16x16x32xf32, #tpu.memory_space<vmem_shared>> -> memref<1x1x32xf32, #tpu.memory_space<vmem_shared>>
      %dma_start3A_343 = tpu.memref_squeeze %dma_start3A_342 : memref<1x1x32xf32, #tpu.memory_space<vmem_shared>> -> memref<32xf32, #tpu.memory_space<vmem_shared>>
      tpu.enqueue_dma source(%dma_start3A_343 : memref<32xf32, #tpu.memory_space<vmem_shared>>) target(%arg9 : memref<32xf32, #tpu.memory_space<vmem>>) target_semaphore(%run_scoped3A_338 : memref<!tpu.dma_semaphore, #tpu.memory_space<semaphore_mem>>)
      %dma_wait3A = arith.constant 0 : i32
      %dma_wait3A_344 = tpu.memref_slice %arg11[%arg1, %run_scoped3A_297, %dma_wait3A] : memref<16x16x32xf32, #tpu.memory_space<vmem_shared>> -> memref<1x1x32xf32, #tpu.memory_space<vmem_shared>>
      %dma_wait3A_345 = tpu.memref_squeeze %dma_wait3A_344 : memref<1x1x32xf32, #tpu.memory_space<vmem_shared>> -> memref<32xf32, #tpu.memory_space<vmem_shared>>
      %dma_wait3A_346 = arith.constant 0 : i32
      %dma_wait3A_347 = tpu.memref_slice %arg11[%arg1, %run_scoped3A_297, %dma_wait3A_346] : memref<16x16x32xf32, #tpu.memory_space<vmem_shared>> -> memref<1x1x32xf32, #tpu.memory_space<vmem_shared>>
      %dma_wait3A_348 = tpu.memref_squeeze %dma_wait3A_347 : memref<1x1x32xf32, #tpu.memory_space<vmem_shared>> -> memref<32xf32, #tpu.memory_space<vmem_shared>>
      tpu.wait_dma2 semaphore(%run_scoped3A_338 : memref<!tpu.dma_semaphore, #tpu.memory_space<semaphore_mem>>) src(%dma_wait3A_348 : memref<32xf32, #tpu.memory_space<vmem_shared>>) dst(%arg9 : memref<32xf32, #tpu.memory_space<vmem>>)
      tpu.yield
    }) : () -> ()
    %get3A_298 = arith.constant 0 : index
    %get3A_299 = tpu.vector_load %arg9[%get3A_298] {strides = array<i32>} : memref<32xf32, #tpu.memory_space<vmem>>, vector<16xf32>,
    %add3A_300 = arith.addf %add3A_293, %get3A_299 : vector<16xf32>
    %get3A_301 = arith.constant 16 : index
    %get3A_302 = tpu.vector_load %arg9[%get3A_301] {strides = array<i32>} : memref<32xf32, #tpu.memory_space<vmem>>, vector<16xf32>,
    %add3A_303 = arith.addf %add3A_296, %get3A_302 : vector<16xf32>
    %run_scoped3A_304 = arith.constant 12 : i32
    "tpu.region"() ({
      %run_scoped3A_338 = tpu.sem_alloc : memref<!tpu.dma_semaphore, #tpu.memory_space<semaphore_mem>>
      %dma_start3A = arith.constant 0 : i32
      %dma_start3A_339 = tpu.memref_slice %arg11[%arg1, %run_scoped3A_304, %dma_start3A] : memref<16x16x32xf32, #tpu.memory_space<vmem_shared>> -> memref<1x1x32xf32, #tpu.memory_space<vmem_shared>>
      %dma_start3A_340 = tpu.memref_squeeze %dma_start3A_339 : memref<1x1x32xf32, #tpu.memory_space<vmem_shared>> -> memref<32xf32, #tpu.memory_space<vmem_shared>>
      %dma_start3A_341 = arith.constant 0 : i32
      %dma_start3A_342 = tpu.memref_slice %arg11[%arg1, %run_scoped3A_304, %dma_start3A_341] : memref<16x16x32xf32, #tpu.memory_space<vmem_shared>> -> memref<1x1x32xf32, #tpu.memory_space<vmem_shared>>
      %dma_start3A_343 = tpu.memref_squeeze %dma_start3A_342 : memref<1x1x32xf32, #tpu.memory_space<vmem_shared>> -> memref<32xf32, #tpu.memory_space<vmem_shared>>
      tpu.enqueue_dma source(%dma_start3A_343 : memref<32xf32, #tpu.memory_space<vmem_shared>>) target(%arg9 : memref<32xf32, #tpu.memory_space<vmem>>) target_semaphore(%run_scoped3A_338 : memref<!tpu.dma_semaphore, #tpu.memory_space<semaphore_mem>>)
      %dma_wait3A = arith.constant 0 : i32
      %dma_wait3A_344 = tpu.memref_slice %arg11[%arg1, %run_scoped3A_304, %dma_wait3A] : memref<16x16x32xf32, #tpu.memory_space<vmem_shared>> -> memref<1x1x32xf32, #tpu.memory_space<vmem_shared>>
      %dma_wait3A_345 = tpu.memref_squeeze %dma_wait3A_344 : memref<1x1x32xf32, #tpu.memory_space<vmem_shared>> -> memref<32xf32, #tpu.memory_space<vmem_shared>>
      %dma_wait3A_346 = arith.constant 0 : i32
      %dma_wait3A_347 = tpu.memref_slice %arg11[%arg1, %run_scoped3A_304, %dma_wait3A_346] : memref<16x16x32xf32, #tpu.memory_space<vmem_shared>> -> memref<1x1x32xf32, #tpu.memory_space<vmem_shared>>
      %dma_wait3A_348 = tpu.memref_squeeze %dma_wait3A_347 : memref<1x1x32xf32, #tpu.memory_space<vmem_shared>> -> memref<32xf32, #tpu.memory_space<vmem_shared>>
      tpu.wait_dma2 semaphore(%run_scoped3A_338 : memref<!tpu.dma_semaphore, #tpu.memory_space<semaphore_mem>>) src(%dma_wait3A_348 : memref<32xf32, #tpu.memory_space<vmem_shared>>) dst(%arg9 : memref<32xf32, #tpu.memory_space<vmem>>)
      tpu.yield
    }) : () -> ()
    %get3A_305 = arith.constant 0 : index
    %get3A_306 = tpu.vector_load %arg9[%get3A_305] {strides = array<i32>} : memref<32xf32, #tpu.memory_space<vmem>>, vector<16xf32>,
    %add3A_307 = arith.addf %add3A_300, %get3A_306 : vector<16xf32>
    %get3A_308 = arith.constant 16 : index
    %get3A_309 = tpu.vector_load %arg9[%get3A_308] {strides = array<i32>} : memref<32xf32, #tpu.memory_space<vmem>>, vector<16xf32>,
    %add3A_310 = arith.addf %add3A_303, %get3A_309 : vector<16xf32>
    %run_scoped3A_311 = arith.constant 13 : i32
    "tpu.region"() ({
      %run_scoped3A_338 = tpu.sem_alloc : memref<!tpu.dma_semaphore, #tpu.memory_space<semaphore_mem>>
      %dma_start3A = arith.constant 0 : i32
      %dma_start3A_339 = tpu.memref_slice %arg11[%arg1, %run_scoped3A_311, %dma_start3A] : memref<16x16x32xf32, #tpu.memory_space<vmem_shared>> -> memref<1x1x32xf32, #tpu.memory_space<vmem_shared>>
      %dma_start3A_340 = tpu.memref_squeeze %dma_start3A_339 : memref<1x1x32xf32, #tpu.memory_space<vmem_shared>> -> memref<32xf32, #tpu.memory_space<vmem_shared>>
      %dma_start3A_341 = arith.constant 0 : i32
      %dma_start3A_342 = tpu.memref_slice %arg11[%arg1, %run_scoped3A_311, %dma_start3A_341] : memref<16x16x32xf32, #tpu.memory_space<vmem_shared>> -> memref<1x1x32xf32, #tpu.memory_space<vmem_shared>>
      %dma_start3A_343 = tpu.memref_squeeze %dma_start3A_342 : memref<1x1x32xf32, #tpu.memory_space<vmem_shared>> -> memref<32xf32, #tpu.memory_space<vmem_shared>>
      tpu.enqueue_dma source(%dma_start3A_343 : memref<32xf32, #tpu.memory_space<vmem_shared>>) target(%arg9 : memref<32xf32, #tpu.memory_space<vmem>>) target_semaphore(%run_scoped3A_338 : memref<!tpu.dma_semaphore, #tpu.memory_space<semaphore_mem>>)
      %dma_wait3A = arith.constant 0 : i32
      %dma_wait3A_344 = tpu.memref_slice %arg11[%arg1, %run_scoped3A_311, %dma_wait3A] : memref<16x16x32xf32, #tpu.memory_space<vmem_shared>> -> memref<1x1x32xf32, #tpu.memory_space<vmem_shared>>
      %dma_wait3A_345 = tpu.memref_squeeze %dma_wait3A_344 : memref<1x1x32xf32, #tpu.memory_space<vmem_shared>> -> memref<32xf32, #tpu.memory_space<vmem_shared>>
      %dma_wait3A_346 = arith.constant 0 : i32
      %dma_wait3A_347 = tpu.memref_slice %arg11[%arg1, %run_scoped3A_311, %dma_wait3A_346] : memref<16x16x32xf32, #tpu.memory_space<vmem_shared>> -> memref<1x1x32xf32, #tpu.memory_space<vmem_shared>>
      %dma_wait3A_348 = tpu.memref_squeeze %dma_wait3A_347 : memref<1x1x32xf32, #tpu.memory_space<vmem_shared>> -> memref<32xf32, #tpu.memory_space<vmem_shared>>
      tpu.wait_dma2 semaphore(%run_scoped3A_338 : memref<!tpu.dma_semaphore, #tpu.memory_space<semaphore_mem>>) src(%dma_wait3A_348 : memref<32xf32, #tpu.memory_space<vmem_shared>>) dst(%arg9 : memref<32xf32, #tpu.memory_space<vmem>>)
      tpu.yield
    }) : () -> ()
    %get3A_312 = arith.constant 0 : index
    %get3A_313 = tpu.vector_load %arg9[%get3A_312] {strides = array<i32>} : memref<32xf32, #tpu.memory_space<vmem>>, vector<16xf32>,
    %add3A_314 = arith.addf %add3A_307, %get3A_313 : vector<16xf32>
    %get3A_315 = arith.constant 16 : index
    %get3A_316 = tpu.vector_load %arg9[%get3A_315] {strides = array<i32>} : memref<32xf32, #tpu.memory_space<vmem>>, vector<16xf32>,
    %add3A_317 = arith.addf %add3A_310, %get3A_316 : vector<16xf32>
    %run_scoped3A_318 = arith.constant 14 : i32
    "tpu.region"() ({
      %run_scoped3A_338 = tpu.sem_alloc : memref<!tpu.dma_semaphore, #tpu.memory_space<semaphore_mem>>
      %dma_start3A = arith.constant 0 : i32
      %dma_start3A_339 = tpu.memref_slice %arg11[%arg1, %run_scoped3A_318, %dma_start3A] : memref<16x16x32xf32, #tpu.memory_space<vmem_shared>> -> memref<1x1x32xf32, #tpu.memory_space<vmem_shared>>
      %dma_start3A_340 = tpu.memref_squeeze %dma_start3A_339 : memref<1x1x32xf32, #tpu.memory_space<vmem_shared>> -> memref<32xf32, #tpu.memory_space<vmem_shared>>
      %dma_start3A_341 = arith.constant 0 : i32
      %dma_start3A_342 = tpu.memref_slice %arg11[%arg1, %run_scoped3A_318, %dma_start3A_341] : memref<16x16x32xf32, #tpu.memory_space<vmem_shared>> -> memref<1x1x32xf32, #tpu.memory_space<vmem_shared>>
      %dma_start3A_343 = tpu.memref_squeeze %dma_start3A_342 : memref<1x1x32xf32, #tpu.memory_space<vmem_shared>> -> memref<32xf32, #tpu.memory_space<vmem_shared>>
      tpu.enqueue_dma source(%dma_start3A_343 : memref<32xf32, #tpu.memory_space<vmem_shared>>) target(%arg9 : memref<32xf32, #tpu.memory_space<vmem>>) target_semaphore(%run_scoped3A_338 : memref<!tpu.dma_semaphore, #tpu.memory_space<semaphore_mem>>)
      %dma_wait3A = arith.constant 0 : i32
      %dma_wait3A_344 = tpu.memref_slice %arg11[%arg1, %run_scoped3A_318, %dma_wait3A] : memref<16x16x32xf32, #tpu.memory_space<vmem_shared>> -> memref<1x1x32xf32, #tpu.memory_space<vmem_shared>>
      %dma_wait3A_345 = tpu.memref_squeeze %dma_wait3A_344 : memref<1x1x32xf32, #tpu.memory_space<vmem_shared>> -> memref<32xf32, #tpu.memory_space<vmem_shared>>
      %dma_wait3A_346 = arith.constant 0 : i32
      %dma_wait3A_347 = tpu.memref_slice %arg11[%arg1, %run_scoped3A_318, %dma_wait3A_346] : memref<16x16x32xf32, #tpu.memory_space<vmem_shared>> -> memref<1x1x32xf32, #tpu.memory_space<vmem_shared>>
      %dma_wait3A_348 = tpu.memref_squeeze %dma_wait3A_347 : memref<1x1x32xf32, #tpu.memory_space<vmem_shared>> -> memref<32xf32, #tpu.memory_space<vmem_shared>>
      tpu.wait_dma2 semaphore(%run_scoped3A_338 : memref<!tpu.dma_semaphore, #tpu.memory_space<semaphore_mem>>) src(%dma_wait3A_348 : memref<32xf32, #tpu.memory_space<vmem_shared>>) dst(%arg9 : memref<32xf32, #tpu.memory_space<vmem>>)
      tpu.yield
    }) : () -> ()
    %get3A_319 = arith.constant 0 : index
    %get3A_320 = tpu.vector_load %arg9[%get3A_319] {strides = array<i32>} : memref<32xf32, #tpu.memory_space<vmem>>, vector<16xf32>,
    %add3A_321 = arith.addf %add3A_314, %get3A_320 : vector<16xf32>
    %get3A_322 = arith.constant 16 : index
    %get3A_323 = tpu.vector_load %arg9[%get3A_322] {strides = array<i32>} : memref<32xf32, #tpu.memory_space<vmem>>, vector<16xf32>,
    %add3A_324 = arith.addf %add3A_317, %get3A_323 : vector<16xf32>
    %run_scoped3A_325 = arith.constant 15 : i32
    "tpu.region"() ({
      %run_scoped3A_338 = tpu.sem_alloc : memref<!tpu.dma_semaphore, #tpu.memory_space<semaphore_mem>>
      %dma_start3A = arith.constant 0 : i32
      %dma_start3A_339 = tpu.memref_slice %arg11[%arg1, %run_scoped3A_325, %dma_start3A] : memref<16x16x32xf32, #tpu.memory_space<vmem_shared>> -> memref<1x1x32xf32, #tpu.memory_space<vmem_shared>>
      %dma_start3A_340 = tpu.memref_squeeze %dma_start3A_339 : memref<1x1x32xf32, #tpu.memory_space<vmem_shared>> -> memref<32xf32, #tpu.memory_space<vmem_shared>>
      %dma_start3A_341 = arith.constant 0 : i32
      %dma_start3A_342 = tpu.memref_slice %arg11[%arg1, %run_scoped3A_325, %dma_start3A_341] : memref<16x16x32xf32, #tpu.memory_space<vmem_shared>> -> memref<1x1x32xf32, #tpu.memory_space<vmem_shared>>
      %dma_start3A_343 = tpu.memref_squeeze %dma_start3A_342 : memref<1x1x32xf32, #tpu.memory_space<vmem_shared>> -> memref<32xf32, #tpu.memory_space<vmem_shared>>
      tpu.enqueue_dma source(%dma_start3A_343 : memref<32xf32, #tpu.memory_space<vmem_shared>>) target(%arg9 : memref<32xf32, #tpu.memory_space<vmem>>) target_semaphore(%run_scoped3A_338 : memref<!tpu.dma_semaphore, #tpu.memory_space<semaphore_mem>>)
      %dma_wait3A = arith.constant 0 : i32
      %dma_wait3A_344 = tpu.memref_slice %arg11[%arg1, %run_scoped3A_325, %dma_wait3A] : memref<16x16x32xf32, #tpu.memory_space<vmem_shared>> -> memref<1x1x32xf32, #tpu.memory_space<vmem_shared>>
      %dma_wait3A_345 = tpu.memref_squeeze %dma_wait3A_344 : memref<1x1x32xf32, #tpu.memory_space<vmem_shared>> -> memref<32xf32, #tpu.memory_space<vmem_shared>>
      %dma_wait3A_346 = arith.constant 0 : i32
      %dma_wait3A_347 = tpu.memref_slice %arg11[%arg1, %run_scoped3A_325, %dma_wait3A_346] : memref<16x16x32xf32, #tpu.memory_space<vmem_shared>> -> memref<1x1x32xf32, #tpu.memory_space<vmem_shared>>
      %dma_wait3A_348 = tpu.memref_squeeze %dma_wait3A_347 : memref<1x1x32xf32, #tpu.memory_space<vmem_shared>> -> memref<32xf32, #tpu.memory_space<vmem_shared>>
      tpu.wait_dma2 semaphore(%run_scoped3A_338 : memref<!tpu.dma_semaphore, #tpu.memory_space<semaphore_mem>>) src(%dma_wait3A_348 : memref<32xf32, #tpu.memory_space<vmem_shared>>) dst(%arg9 : memref<32xf32, #tpu.memory_space<vmem>>)
      tpu.yield
    }) : () -> ()
    %get3A_326 = arith.constant 0 : index
    %get3A_327 = tpu.vector_load %arg9[%get3A_326] {strides = array<i32>} : memref<32xf32, #tpu.memory_space<vmem>>, vector<16xf32>,
    %add3A_328 = arith.addf %add3A_321, %get3A_327 : vector<16xf32>
    %get3A_329 = arith.constant 16 : index
    %get3A_330 = tpu.vector_load %arg9[%get3A_329] {strides = array<i32>} : memref<32xf32, #tpu.memory_space<vmem>>, vector<16xf32>,
    %add3A_331 = arith.addf %add3A_324, %get3A_330 : vector<16xf32>
    %max3A = arith.constant 1.000000e+00 : f32
    %max3A_332 = vector.broadcast %max3A : f32 to vector<16xf32>
    %max3A_333 = arith.maximumf %add3A_331, %max3A_332 : vector<16xf32>
    %div3A = arith.divf %add3A_328, %max3A_333 : vector<16xf32>
    %swap3A_334 = arith.constant 0 : index
    %swap3A_335 = tpu.vector_load %arg10[%swap3A_334] {strides = array<i32>} : memref<16xf32, #tpu.memory_space<vmem>>, vector<16xf32>,
    tpu.vector_store %arg10[%swap3A_334], %div3A {strides = array<i32>} : memref<16xf32, #tpu.memory_space<vmem>>, vector<16xf32>,
    %mul3A_336 = arith.constant 16 : i32
    %mul3A_337 = arith.muli %arg1, %mul3A_336 : i32
    "tpu.region"() ({
      %run_scoped3A_338 = tpu.sem_alloc : memref<!tpu.dma_semaphore, #tpu.memory_space<semaphore_mem>>
      %dma_start3A = tpu.memref_slice %arg4[%mul3A_337] : memref<256xf32, #tpu.memory_space<hbm>> -> memref<16xf32, #tpu.memory_space<hbm>>
      %dma_start3A_339 = tpu.memref_slice %arg4[%mul3A_337] : memref<256xf32, #tpu.memory_space<hbm>> -> memref<16xf32, #tpu.memory_space<hbm>>
      tpu.enqueue_dma source(%arg10 : memref<16xf32, #tpu.memory_space<vmem>>) target(%dma_start3A_339 : memref<16xf32, #tpu.memory_space<hbm>>) target_semaphore(%run_scoped3A_338 : memref<!tpu.dma_semaphore, #tpu.memory_space<semaphore_mem>>)
      %dma_wait3A = tpu.memref_slice %arg4[%mul3A_337] : memref<256xf32, #tpu.memory_space<hbm>> -> memref<16xf32, #tpu.memory_space<hbm>>
      %dma_wait3A_340 = tpu.memref_slice %arg4[%mul3A_337] : memref<256xf32, #tpu.memory_space<hbm>> -> memref<16xf32, #tpu.memory_space<hbm>>
      tpu.wait_dma2 semaphore(%run_scoped3A_338 : memref<!tpu.dma_semaphore, #tpu.memory_space<semaphore_mem>>) src(%arg10 : memref<16xf32, #tpu.memory_space<vmem>>) dst(%dma_wait3A_340 : memref<16xf32, #tpu.memory_space<hbm>>)
      tpu.yield
    }) : () -> ()
    return
  }
}

module attributes {stable_mosaic.version = 14 : i64} {
  func.func @_mlp_body(%arg0: i32, %arg1: memref<12800x10xf32, #tpu.memory_space<vmem>>, %arg2: memref<10x512xf32, #tpu.memory_space<vmem>>, %arg3: memref<512xf32, #tpu.memory_space<vmem>>, %arg4: memref<512x1xf32, #tpu.memory_space<vmem>>, %arg5: memref<1xf32, #tpu.memory_space<vmem>>, %arg6: memref<1x1x12800xf32, #tpu.memory_space<vmem>>) attributes {dimension_semantics = [#tpu.dimension_semantics<arbitrary>], iteration_bounds = array<i64: 8>, scalar_prefetch = 0 : i64, scratch_operands = 0 : i64, tpu.core_type = #tpu.core_type<tc>, window_params = [{transform_indices = @transform_0, window_bounds = array<i64: 12800, 10>}, {pipeline_mode = #tpu.pipeline_mode<synchronous>, transform_indices = @transform_1, window_bounds = array<i64: 10, 512>}, {pipeline_mode = #tpu.pipeline_mode<synchronous>, transform_indices = @transform_2, window_bounds = array<i64: 512>}, {pipeline_mode = #tpu.pipeline_mode<synchronous>, transform_indices = @transform_3, window_bounds = array<i64: 512, 1>}, {pipeline_mode = #tpu.pipeline_mode<synchronous>, transform_indices = @transform_4, window_bounds = array<i64: 1>}, {transform_indices = @transform_5, window_bounds = array<i64: 1, 1, 12800>}]} {
    %iota3A = tpu.iota {dimensions = array<i32: 0>} : vector<12800x1xi32>
    %mul3A = arith.constant 12800 : i32
    %mul3A_0 = arith.muli %arg0, %mul3A : i32
    %add3A = vector.broadcast %mul3A_0 : i32 to vector<12800x1xi32>
    %add3A_1 = arith.addi %iota3A, %add3A : vector<12800x1xi32>
    %lt3A = arith.constant 100000 : i32
    %lt3A_2 = vector.broadcast %lt3A : i32 to vector<12800x1xi32>
    %lt3A_3 = arith.cmpi slt, %add3A_1, %lt3A_2 : vector<12800x1xi32>
    %get3A = arith.constant 0 : index
    %get3A_4 = arith.constant 0 : index
    %get3A_5 = vector.load %arg1[%get3A, %get3A_4] : memref<12800x10xf32, #tpu.memory_space<vmem>>, vector<12800x10xf32>
    %jit3A = arith.constant 0.000000e+00 : f32
    %broadcast_in_dim3A = vector.shape_cast %lt3A_3 : vector<12800x1xi1> to vector<12800x1xi1>
    %broadcast_in_dim3A_6 = vector.broadcast %broadcast_in_dim3A : vector<12800x1xi1> to vector<12800x10xi1>
    %broadcast_in_dim3A_7 = vector.broadcast %jit3A : f32 to vector<12800x10xf32>
    %select_n3A = arith.select %broadcast_in_dim3A_6, %get3A_5, %broadcast_in_dim3A_7 : vector<12800x10xi1>, vector<12800x10xf32>
    %convert_element_type3A = arith.truncf %select_n3A : vector<12800x10xf32> to vector<12800x10xbf16>
    %get3A_8 = arith.constant 0 : index
    %get3A_9 = arith.constant 0 : index
    %get3A_10 = vector.load %arg2[%get3A_8, %get3A_9] : memref<10x512xf32, #tpu.memory_space<vmem>>, vector<10x512xf32>
    %convert_element_type3A_11 = arith.truncf %get3A_10 : vector<10x512xf32> to vector<10x512xbf16>
    %dot_general3A = arith.constant dense<0.000000e+00> : vector<12800x512xf32>
    %dot_general3A_12 = tpu.matmul %convert_element_type3A, %convert_element_type3A_11, %dot_general3A {dimension_numbers = #tpu.dot_dimension_numbers<[1], [0], [0], [1], [0, 0, 1, 1], [], []>, transpose_lhs_hint = false} : vector<12800x10xbf16>, vector<10x512xbf16>, vector<12800x512xf32> -> vector<12800x512xf32>
    %get3A_13 = arith.constant 0 : index
    %get3A_14 = vector.load %arg3[%get3A_13] : memref<512xf32, #tpu.memory_space<vmem>>, vector<512xf32>
    %broadcast_in_dim3A_15 = vector.shape_cast %get3A_14 : vector<512xf32> to vector<1x512xf32>
    %add3A_16 = vector.broadcast %broadcast_in_dim3A_15 : vector<1x512xf32> to vector<12800x512xf32>
    %add3A_17 = arith.addf %dot_general3A_12, %add3A_16 : vector<12800x512xf32>
    %max3A = arith.constant 0.000000e+00 : f32
    %max3A_18 = vector.broadcast %max3A : f32 to vector<12800x512xf32>
    %max3A_19 = arith.maximumf %add3A_17, %max3A_18 : vector<12800x512xf32>
    %convert_element_type3A_20 = arith.truncf %max3A_19 : vector<12800x512xf32> to vector<12800x512xbf16>
    %get3A_21 = arith.constant 0 : index
    %get3A_22 = arith.constant 0 : index
    %get3A_23 = vector.load %arg4[%get3A_21, %get3A_22] : memref<512x1xf32, #tpu.memory_space<vmem>>, vector<512x1xf32>
    %convert_element_type3A_24 = arith.truncf %get3A_23 : vector<512x1xf32> to vector<512x1xbf16>
    %dot_general3A_25 = arith.constant dense<0.000000e+00> : vector<12800x1xf32>
    %dot_general3A_26 = tpu.matmul %convert_element_type3A_20, %convert_element_type3A_24, %dot_general3A_25 {dimension_numbers = #tpu.dot_dimension_numbers<[1], [0], [0], [1], [0, 0, 1, 1], [], []>, transpose_lhs_hint = false} : vector<12800x512xbf16>, vector<512x1xbf16>, vector<12800x1xf32> -> vector<12800x1xf32>
    %get3A_27 = arith.constant 0 : index
    %get3A_28 = vector.load %arg5[%get3A_27] : memref<1xf32, #tpu.memory_space<vmem>>, vector<1xf32>
    %broadcast_in_dim3A_29 = vector.shape_cast %get3A_28 : vector<1xf32> to vector<1x1xf32>
    %add3A_30 = vector.broadcast %broadcast_in_dim3A_29 : vector<1x1xf32> to vector<12800x1xf32>
    %add3A_31 = arith.addf %dot_general3A_26, %add3A_30 : vector<12800x1xf32>
    %reshape3A = vector.shape_cast %add3A_31 : vector<12800x1xf32> to vector<1x1x12800xf32>
    %swap3A = arith.constant 0 : index
    %swap3A_32 = arith.constant 0 : index
    %swap3A_33 = arith.constant 0 : index
    %swap3A_34 = vector.load %arg6[%swap3A, %swap3A_32, %swap3A_33] : memref<1x1x12800xf32, #tpu.memory_space<vmem>>, vector<1x1x12800xf32>
    tpu.vector_store %arg6[%swap3A, %swap3A_32, %swap3A_33], %reshape3A {strides = array<i32>} : memref<1x1x12800xf32, #tpu.memory_space<vmem>>, vector<1x1x12800xf32>,
    return
  }
  func.func @transform_0(%arg0: i32) -> (i32, i32) {
    %c0_i32 = arith.constant 0 : i32
    %c0_i32_0 = arith.constant 0 : i32
    return %arg0, %c0_i32 : i32, i32
  }
  func.func @transform_1(%arg0: i32) -> (i32, i32) {
    %c0_i32 = arith.constant 0 : i32
    %c0_i32_0 = arith.constant 0 : i32
    %c0_i32_1 = arith.constant 0 : i32
    return %c0_i32, %c0_i32_0 : i32, i32
  }
  func.func @transform_2(%arg0: i32) -> i32 {
    %c0_i32 = arith.constant 0 : i32
    %c0_i32_0 = arith.constant 0 : i32
    return %c0_i32 : i32
  }
  func.func @transform_3(%arg0: i32) -> (i32, i32) {
    %c0_i32 = arith.constant 0 : i32
    %c0_i32_0 = arith.constant 0 : i32
    %c0_i32_1 = arith.constant 0 : i32
    return %c0_i32, %c0_i32_0 : i32, i32
  }
  func.func @transform_4(%arg0: i32) -> i32 {
    %c0_i32 = arith.constant 0 : i32
    %c0_i32_0 = arith.constant 0 : i32
    return %c0_i32 : i32
  }
  func.func @transform_5(%arg0: i32) -> (i32, i32, i32) {
    %c0_i32 = arith.constant 0 : i32
    %c0_i32_0 = arith.constant 0 : i32
    %c0_i32_1 = arith.constant 0 : i32
    return %arg0, %c0_i32, %c0_i32_0 : i32, i32, i32
  }
}

</mosaic_0001>

<sc_bundles>
// kernel: kernel.4.cloned.1.call-start
scs
__scs_entry_jumppad:
0x0: {  	(pc) =	sbr.rel $0x88, $3  }
0x1: {  	(tag) =	ssettag $0x0;
	lr =	simm.s32 $0x1  }
0x2: {  	[smem:$0x3F9B] =	sst lr;
	_ =	strace $0xD0000000  }
0x3: {  	_ = 	snop  }
0x4: {  	_ = 	snop  }
0x5: {  	_ = 	snop  }
0x6: {  	_ = 	snop  }
0x7: {  	_ = 	snop  }
__scs_overlays_trampoline_lowered:
0x8: {  	[smem:$0x3FAA] =	sst s0  }
0x9: {  	[smem:$0x3FAB] =	sst s1  }
0xa: {  	[smem:$0x3FAC] =	sst s2  }
0xb: {  	[smem:$0x3FAD] =	sst s3  }
0xc: {  	[smem:$0x3FAE] =	sst s4  }
0xd: {  	[smem:$0x3FAF] =	sst s5  }
0xe: {  	[smem:$0x3FB0] =	sst s6  }
0xf: {  	[smem:$0x3FB1] =	sst s7  }
0x10: {  	[smem:$0x3FB2] =	sst s8  }
0x11: {  	[smem:$0x3FB3] =	sst s9;
	s0 =	simm.s32 @!p0 $0x0  }
0x12: {  	s1 =	sld [smem:$0x3F99];
	s0 =	simm.s32 @p0 $0x1  }
0x13: {  	[smem:$0x3FB4] =	sst s0;
	s0 =	simm.s32 @!p1 $0x0  }
0x14: {  	s2 =	sld [smem:$0x3F98];
	s0 =	simm.s32 @p1 $0x1  }
0x15: {  	[smem:$0x3FB5] =	sst s0;
	s0 =	simm.s32 @!p2 $0x0  }
0x16: {  	s3 =	sld [smem:$0x3FDB];
	s0 =	simm.s32 @p2 $0x1  }
0x17: {  	s4 =	simm.s32 $0x1BF5;
	[smem:$0x3FB7] =	sst s0  }
0x18: {  	s0 =	sld [smem:$0x3F9A];
	_ =	swait.ge [sflag:s4], $0x0  }
0x19: {  	s7 =	sld [smem:$0x3F9B]  }
0x1a: {  	s8 =	sadd.s32 $0xFFFFE003, lr  }
0x1b: {  	s9 =	sadd.s32 $0xFFFFFEF7, lr;
	s5 =	simm.s32 $0xFFFFFFFF;
	p2 =	slt.u32 s8, $0xFFFFF086  }
0x1c: {  	p1 =	slt.u32 s9, $0xF7A;
	s5 =	simm.s32 @!p2 $0x0  }
0x1d: {  	s5 =	simm.s32 @p1 $0x1;
	p0 =	seq.s32 s7, s2  }
0x1e: {  	s7 =	smul.u32 @!p0 $0xF7A, s2;
	p2 =	seq.s32 @!p0 s5, $0x0  }
0x1f: {  	s9 =	smul.u32 $0xF7A, s1;
	s8 =	simm.s32 @!p0 $0x1BF5;
	p2 =	por !p2, p0  }
0x20: {  	[sflag:s8] =	ssyncset.s32 @!p0 $0xFFFFF086;
	s6 =	sadd.s32 @!p0 s3, s7;
	s7 =	simm.s32 @!p0 $0x108  }
0x21: {  	s3 =	sadd.s32 s3, s9;
	s6 =	sadd.s32 @!p0 $0x88, s6;
	s7 =	simm.s32 @p2 $0x1082  }
0x22: {  	[simem:s7], [sflag:s8] =	dma.local @!p0 [hbm:s6], $0xF7A  }
0x23: {  	s9 =	sor.u32 $0xD0000000, s2;
	s6 =	simm.s32 $0x108;
	_ =	swait.ge @!p0 [sflag:s8], $0x0  }
0x24: {  	s3 =	sadd.s32 $0x88, s3;
	s6 =	simm.s32 @!p1 $0x1082;
	[sflag:s4] =	ssyncset.s32 $0xFFFFF086  }
0x25: {  	[simem:s6], [sflag:s4] =	dma.local [hbm:s3], $0xF7A  }
0x26: {  	[smem:$0x3F9B] =	sst s1;
	(tag) =	ssettag s2;
	_ =	strace s9  }
0x27: {  	s1 =	sld [smem:$0x3FAB]  }
0x28: {  	s2 =	sld [smem:$0x3FAC]  }
0x29: {  	s4 =	sld [smem:$0x3FAE]  }
0x2a: {  	p0 =	seq.s32 s5, $0x0;
	s5 =	sld [smem:$0x3FAF]  }
0x2b: {  	s6 =	sld [smem:$0x3FB0]  }
0x2c: {  	s7 =	sld [smem:$0x3FB1]  }
0x2d: {  	s3 =	simm.s32 $0x108;
	s8 =	sld [smem:$0x3FB2]  }
0x2e: {  	s3 =	simm.s32 @!p0 $0x1082;
	s9 =	sld [smem:$0x3FB3]  }
0x2f: {  	lr =	sadd.s32 s0, s3;
	s0 =	sld [smem:$0x3FAA]  }
0x30: {  	s3 =	sld [smem:$0x3FAD]  }
0x31: {  	[smem:$0x3FB6] =	sst s10  }
0x32: {  	s10 =	sld [smem:$0x3FB4];
	_ =	sdelay $0x3  }
0x33: {  	p0 =	seq.s32 s10, $0x1;
	s10 =	sld [smem:$0x3FB6];
	_ =	sdelay $0x3  }
0x34: {  	[smem:$0x3FB6] =	sst s10  }
0x35: {  	s10 =	sld [smem:$0x3FB5];
	_ =	sdelay $0x3  }
0x36: {  	p1 =	seq.s32 s10, $0x1;
	s10 =	sld [smem:$0x3FB6];
	_ =	sdelay $0x3  }
0x37: {  	[smem:$0x3FB6] =	sst s10  }
0x38: {  	s10 =	sld [smem:$0x3FB7]  }
0x39: {  	_ = 	snop;
	(pc) =	sbr.ind lr, $3  }
0x3a: {  	_ = 	snop  }
0x3b: {  	_ = 	snop  }
0x3c: {  	p2 =	seq.s32 s10, $0x1;
	s10 =	sld [smem:$0x3FB6]  }
0x3d: {  	_ =	shalt  }
0x3e: {  	_ =	shalt  }
0x3f: {  	_ =	shalt  }
0x40: {  	_ =	shalt  }
0x41: {  	_ =	shalt  }
0x42: {  	_ =	shalt  }
0x43: {  	_ =	shalt  }
0x44: {  	_ =	shalt  }
0x45: {  	_ =	shalt  }
0x46: {  	_ =	shalt  }
0x47: {  	_ =	shalt  }
0x48: {  	_ =	shalt  }
0x49: {  	_ =	shalt  }
0x4a: {  	_ =	shalt  }
0x4b: {  	_ =	shalt  }
0x4c: {  	_ =	shalt  }
0x4d: {  	_ =	shalt  }
0x4e: {  	_ =	shalt  }
0x4f: {  	_ =	shalt  }
0x50: {  	_ =	shalt  }
0x51: {  	_ =	shalt  }
0x52: {  	_ =	shalt  }
0x53: {  	_ =	shalt  }
0x54: {  	_ =	shalt  }
0x55: {  	_ =	shalt  }
0x56: {  	_ =	shalt  }
0x57: {  	_ =	shalt  }
0x58: {  	_ =	shalt  }
0x59: {  	_ =	shalt  }
0x5a: {  	_ =	shalt  }
0x5b: {  	_ =	shalt  }
0x5c: {  	_ =	shalt  }
0x5d: {  	_ =	shalt  }
0x5e: {  	_ =	shalt  }
0x5f: {  	_ =	shalt  }
0x60: {  	_ =	shalt  }
0x61: {  	_ =	shalt  }
0x62: {  	_ =	shalt  }
0x63: {  	_ =	shalt  }
0x64: {  	_ =	shalt  }
0x65: {  	_ =	shalt  }
0x66: {  	_ =	shalt  }
0x67: {  	_ =	shalt  }
0x68: {  	_ =	shalt  }
0x69: {  	_ =	shalt  }
0x6a: {  	_ =	shalt  }
0x6b: {  	_ =	shalt  }
0x6c: {  	_ =	shalt  }
0x6d: {  	_ =	shalt  }
0x6e: {  	_ =	shalt  }
0x6f: {  	_ =	shalt  }
0x70: {  	_ =	shalt  }
0x71: {  	_ =	shalt  }
0x72: {  	_ =	shalt  }
0x73: {  	_ =	shalt  }
0x74: {  	_ =	shalt  }
0x75: {  	_ =	shalt  }
0x76: {  	_ =	shalt  }
0x77: {  	_ =	shalt  }
0x78: {  	_ =	shalt  }
0x79: {  	_ =	shalt  }
0x7a: {  	_ =	shalt  }
0x7b: {  	_ =	shalt  }
0x7c: {  	_ =	shalt  }
0x7d: {  	_ =	shalt  }
0x7e: {  	_ =	shalt  }
0x7f: {  	_ =	shalt  }
0x80: {  	_ =	shalt  }
0x81: {  	_ =	shalt  }
0x82: {  	_ =	shalt  }
0x83: {  	_ =	shalt  }
0x84: {  	_ =	shalt  }
0x85: {  	_ =	shalt  }
0x86: {  	_ =	shalt  }
0x87: {  	_ =	shalt  }
.Lfunc_end0:
.L_simem_size_0:
called_computation_lowered:
.L_overlay_start_0:
0x88: {  	s0 =	sld [smem:$0x3FD9]  }
0x89: {  	s1 =	sld [smem:$0x3FFE];
	_ =	sdelay $0x3  }
0x8a: {  	s0 =	sadd.s32 s1, s0  }
0x8b: {  	[smem:$0x3FC2] =	sst s0  }
0x8c: {  	_ = 	snop  }
0x8d: {  	s0 =	sld [smem:$0x3FD0];
	(tm) =	ssettm $0x1  }
0x8e: {  	s16 =	sld [smem:$0x3FFB];
	_ =	sdelay $0x3  }
0x8f: {  	_ =	strace s16  }
0x90: {  	s1 =	sld [smem:$0x3FFC];
	_ =	sdelay $0x3  }
0x91: {  	_ =	strace s1  }
0x92: {  	s1 =	sld [smem:$0x3FFD];
	_ =	sdelay $0x3  }
0x93: {  	_ =	strace s1  }
0x94: {  	_ =	strace $0x8FFFFFFF  }
0x95: {  	s17 =	sld [smem:$0x3FDB];
	_ =	sdelay $0x1  }
0x96: {  	s2 =	simm.s32 $_scs_section_size  }
0x97: {  	s3 =	simm.s32 $_size__tile_overlayer_lowered;
	s4 =	simm.s32 $_tile_overlayer_lowered  }
0x98: {  	s20 =	simm.s32 $0x1BFF;
	s19 =	sshll.u32 s4, $0x1;
	s1 =	sadd.s32 s2, s17  }
0x99: {  	s5 =	simm.s32 $0x0;
	s18 =	sshll.u32 s3, $0x1;
	s3 =	sadd.s32 s19, s1  }
0x9a: {  	[timem:s5], [sflag:s20] =	dma.local [hbm:s3], s18  }
0x9b: {  	_ =	swait.ge [sflag:s20], s18  }
0x9c: {  	s2 =	ssub.s32 $0x0, s18;
	[sflag:s20] =	ssyncset.done $0x0  }
0x9d: {  	[sflag:s20] =	ssyncadd.s32 s2;
	_ =	sdelay $0x1  }
0x9e: {  	s21 =	simm.s32 $0x1B8B  }
0x9f: {  	_ =	swait.ge [sflag:s21], $0x1  }
0xa0: {  	[sflag:s21] =	ssyncset.done $0x0  }
0xa1: {  	s23 =	simm.s32 $0x1B8E;
	s22 =	sld [smem:$0x3FFE];
	[sflag:s21] =	ssyncadd.s32 $0xFFFFFFFF  }
0xa2: {  	s24 =	simm.s32 $execute0_lowered;
	[smem:$0x3FD2] =	sst s23  }
0xa3: {  	s3 =	sshll.u32 s24, $0x1;
	_ =	strace $0x80000046;
	[dreg:$0x1] =	wrdreg $0xFFFFFFFF  }
0xa4: {  	s25 =	simm.s32 $_size_execute0_lowered;
	s1 =	sadd.s32 s1, s3;
	[dreg:$0x0] =	wrdreg $0x0  }
0xa5: {  	s3 =	sshll.u32 s25, $0x1;
	[dreg:$0x2] =	wrdreg s1  }
0xa6: {  	[dreg:$0x3] =	wrdreg s3  }
0xa7: {  	[dreg:$0x4] =	wrdreg $0xC0  }
0xa8: {  	_ =	task [dreg:s5], $0x5FFFF  }
0xa9: {  	[dreg:$0x1] =	wrdreg $0xFFFFFFFF  }
0xaa: {  	[dreg:$0x0] =	wrdreg $0x60  }
0xab: {  	[dreg:$0x2] =	wrdreg s22  }
0xac: {  	[dreg:$0x3] =	wrdreg s0  }
0xad: {  	[dreg:$0x4] =	wrdreg $0x36000  }
0xae: {  	[dreg:$0x5] =	wrdreg $0x9  }
0xaf: {  	_ =	task.clear_ibuf [dreg:s5], $0x6FFFF;
	_ =	strace $0x90000046  }
0xb0: {  	s26 =	simm.s32 $0x9;
	_ =	strace $0x80000048  }
0xb1: {  	_ =	swait.ge [sflag:s26], $0x1  }
0xb2: {  	[sflag:s26] =	ssyncadd.s32 $0xFFFFFFFF  }
0xb3: {  	_ =	strace $0x90000048  }
0xb4: {  	_ =	sfence  }
0xb5: {  	s28 =	sld [smem:$0x0];
	_ =	sdelay $0x1  }
0xb6: {  	s29 =	srdreg.scid  }
0xb7: {  	s30 =	sshll.u32 s29, $0xD;
	s31 =	sshrl.u32 s29, $0x2  }
0xb8: {  	s2 =	sand.u32 $0x4000, s30;
	s1 =	sand.u32 $0x1, s29;
	s0 =	sadd.s32 s31, s28  }
0xb9: {  	s1 =	sor.u32 s2, s1;
	s0 =	sshll.u32 s0, $0x11  }
0xba: {  	s0 =	sor.u32 s0, s1  }
0xbb: {  	s0 =	sadd.s32 $0x8F2B, s0  }
0xbc: {  	[sflag:s0] =	ssyncadd.remote.s32 $0x1  }
0xbd: {  	_ =	sfence.sel $0xFFFF  }
0xbe: {  	[dreg:$0x0] =	wrdreg $0xFFFFFFFF;
	(pc) =	sbr.abs _section_cstart, $3  }
0xbf: {  	[dreg:$0x1] =	wrdreg $0xFFFFFFFF  }
0xc0: {  	_ =	task.clear_ibuf [dreg:s5], $0x2FFFF;
	_ =	strace $0x9FFFFFFF  }
0xc1: {  	(tm) =	ssettm $0x7FFFFFFF  }
tec
execute0_lowered:
.L_overlay_start_1:
0x0: {  	(tag) =	ssettag $0x1  }
0x1: {  	s3 =	rddreg [dreg:$0x0]  }
0x2: {  	s2 =	rddreg [dreg:$0x1];
	s1 =	stileid.u32  }
0x3: {  	s5 =	rddreg [dreg:$0x2];
	s4 =	smul.u32 $0x320, s1  }
0x4: {  	s0 =	rddreg [dreg:$0x3];
	s6 =	simm.s32 $0x0  }
0x5: {  	[smem:$0x7FF] =	sst s6;
	s3 =	sadd.s32 s4, s3  }
0x6: {  	s31 =	simm.s32 $0x1;
	_ =	strace $0x80000047;
	s4 =	sadd.s32 $0x187800, s3  }
0x7: {  	[tilespmem:s6], [sflag:$0x1] =	stream.linear.gather [hbm4b:s4+s6], $0x1900, $0x38;
	[tilespmem:$0x3800] =	vst v63  }
0x8: {  	_ =	swait.ge [sflag:s31], $0x1900  }
0x9: {  	[sflag:s31] =	ssyncset.done $0x0  }
0xa: {  	s7 =	simm.s32 $0x1900;
	s3 =	sadd.s32 $0xE00, s3;
	[sflag:s31] =	ssyncadd.s32 $0xFFFFE700  }
0xb: {  	[tilespmem:s7], [sflag:$0x1] =	stream.linear.gather [hbm4b:s3+s6], $0x1900, $0x38;
	[tilespmem:$0x3800] =	vst v63  }
0xc: {  	_ =	swait.ge [sflag:s31], $0x1900  }
0xd: {  	[sflag:s31] =	ssyncset.done $0x0  }
0xe: {  	v0 =	vimm.f32 $0.0e+00;
	[sflag:s31] =	ssyncadd.s32 $0xFFFFE700  }
0xf: {  	[tilespmem:$0x3200] =	vst v0  }
0x10: {  	[tilespmem:$0x3380] =	vst v0  }
0x11: {  	[tilespmem:$0x3210] =	vst v0  }
0x12: {  	[tilespmem:$0x3390] =	vst v0  }
0x13: {  	[tilespmem:$0x3220] =	vst v0  }
0x14: {  	[tilespmem:$0x33A0] =	vst v0  }
0x15: {  	[tilespmem:$0x3230] =	vst v0  }
0x16: {  	[tilespmem:$0x33B0] =	vst v0  }
0x17: {  	[tilespmem:$0x3240] =	vst v0  }
0x18: {  	[tilespmem:$0x33C0] =	vst v0  }
0x19: {  	[tilespmem:$0x3250] =	vst v0  }
0x1a: {  	[tilespmem:$0x33D0] =	vst v0  }
0x1b: {  	[tilespmem:$0x3260] =	vst v0  }
0x1c: {  	[tilespmem:$0x33E0] =	vst v0  }
0x1d: {  	[tilespmem:$0x3270] =	vst v0  }
0x1e: {  	[tilespmem:$0x33F0] =	vst v0  }
0x1f: {  	[tilespmem:$0x3280] =	vst v0  }
0x20: {  	[tilespmem:$0x3400] =	vst v0  }
0x21: {  	[tilespmem:$0x3290] =	vst v0  }
0x22: {  	[tilespmem:$0x3410] =	vst v0  }
0x23: {  	[tilespmem:$0x32A0] =	vst v0  }
0x24: {  	[tilespmem:$0x3420] =	vst v0  }
0x25: {  	[tilespmem:$0x32B0] =	vst v0  }
0x26: {  	[tilespmem:$0x3430] =	vst v0  }
0x27: {  	[tilespmem:$0x32C0] =	vst v0  }
0x28: {  	[tilespmem:$0x3440] =	vst v0  }
0x29: {  	[tilespmem:$0x32D0] =	vst v0  }
0x2a: {  	[tilespmem:$0x3450] =	vst v0  }
0x2b: {  	[tilespmem:$0x32E0] =	vst v0  }
0x2c: {  	[tilespmem:$0x3460] =	vst v0  }
0x2d: {  	[tilespmem:$0x32F0] =	vst v0  }
0x2e: {  	[tilespmem:$0x3470] =	vst v0  }
0x2f: {  	[tilespmem:$0x3300] =	vst v0  }
0x30: {  	s7 =	simm.s32 $0x0;
	[tilespmem:$0x3480] =	vst v0  }
0x31: {  	s4 =	simm.s32 $0x3380;
	s3 =	simm.s32 $0x3200;
	s6 =	simm.s32 $0x40;
	v0 =	vimm.f32 $1.000000000e+00;
	v1 =	vld [tilespmem:s7+$0x0]  }
.LBB2_1:
0x32: {  	p0 =	sne.s32 s6, $0x63C0;
	_ =	sdelay $0x1  }
0x33: {  	v2 =	vld [tilespmem:s7+$0x1900];
	_ =	sdelay $0x2  }
.Ltmp0:
0x34: {  	(pc) =	sbr.rel @p0 .LBB2_1-.Ltmp0, $4  }
0x35: {  	_ = 	snop  }
0x36: {  	[tilespmem:v1+s3+$0x0] =	vst.idx.add.f32.msk $0xffff, v2  }
0x37: {  	s7 =	sshra.s32 s6, $0x2;
	[tilespmem:v1+s4+$0x0] =	vst.idx.add.f32.msk $0xffff, v0  }
0x38: {  	s6 =	sadd.s32 $0x40, s6;
	v1 =	vld [tilespmem:s7+$0x0]  }
0x39: {  	_ =	sdelay $0x2  }
0x3a: {  	v2 =	vld [tilespmem:s7+$0x1900];
	_ =	sdelay $0x4  }
0x3b: {  	[tilespmem:v1+s3+$0x0] =	vst.idx.add.f32.msk $0xffff, v2  }
0x3c: {  	[tilespmem:v1+s4+$0x0] =	vst.idx.add.f32.msk $0xffff, v0  }
0x3d: {  	v0 =	vld [tilespmem:$0x3200]  }
0x3e: {  	v1 =	vld [tilespmem:$0x3380];
	_ =	sdelay $0x3  }
0x3f: {  	s21 =	sshll.u32 s1, $0x7;
	[tilespmem:$0x3500] =	vst v0  }
0x40: {  	s6 =	sadd.s32 s21, s5;
	s3 =	simm.s32 $0x1;
	s4 =	simm.s32 $0x3500;
	[tilespmem:$0x3510] =	vst v1  }
0x41: {  	[spmem:s6] =	stream.linear.scatter [tilespmem:s4], [sflag:$0x1], $0x80, $0x38;
	[tilespmem:$0x3800] =	vst v63  }
0x42: {  	_ =	swait.ge [sflag:s3], $0x80  }
0x43: {  	[sflag:s3] =	ssyncset.done $0x0  }
0x44: {  	[sflag:s3] =	ssyncadd.s32 $0xFFFFFF80  }
0x45: {  	v21 =	vld [tilespmem:$0x3210]  }
0x46: {  	v22 =	vld [tilespmem:$0x3390];
	_ =	sdelay $0x3  }
0x47: {  	[tilespmem:$0x3500] =	vst v21  }
0x48: {  	s22 =	sadd.s32 $0x800, s6;
	[tilespmem:$0x3510] =	vst v22  }
0x49: {  	[spmem:s22] =	stream.linear.scatter [tilespmem:s4], [sflag:$0x1], $0x80, $0x38;
	[tilespmem:$0x3800] =	vst v63  }
0x4a: {  	_ =	swait.ge [sflag:s3], $0x80  }
0x4b: {  	[sflag:s3] =	ssyncset.done $0x0  }
0x4c: {  	[sflag:s3] =	ssyncadd.s32 $0xFFFFFF80  }
0x4d: {  	v23 =	vld [tilespmem:$0x3220]  }
0x4e: {  	v24 =	vld [tilespmem:$0x33A0];
	_ =	sdelay $0x3  }
0x4f: {  	[tilespmem:$0x3500] =	vst v23  }
0x50: {  	s23 =	sadd.s32 $0x1000, s6;
	[tilespmem:$0x3510] =	vst v24  }
0x51: {  	[spmem:s23] =	stream.linear.scatter [tilespmem:s4], [sflag:$0x1], $0x80, $0x38;
	[tilespmem:$0x3800] =	vst v63  }
0x52: {  	_ =	swait.ge [sflag:s3], $0x80  }
0x53: {  	[sflag:s3] =	ssyncset.done $0x0  }
0x54: {  	[sflag:s3] =	ssyncadd.s32 $0xFFFFFF80  }
0x55: {  	v25 =	vld [tilespmem:$0x3230]  }
0x56: {  	v26 =	vld [tilespmem:$0x33B0];
	_ =	sdelay $0x3  }
0x57: {  	[tilespmem:$0x3500] =	vst v25  }
0x58: {  	s24 =	sadd.s32 $0x1800, s6;
	[tilespmem:$0x3510] =	vst v26  }
0x59: {  	[spmem:s24] =	stream.linear.scatter [tilespmem:s4], [sflag:$0x1], $0x80, $0x38;
	[tilespmem:$0x3800] =	vst v63  }
0x5a: {  	_ =	swait.ge [sflag:s3], $0x80  }
0x5b: {  	[sflag:s3] =	ssyncset.done $0x0  }
0x5c: {  	[sflag:s3] =	ssyncadd.s32 $0xFFFFFF80  }
0x5d: {  	v27 =	vld [tilespmem:$0x3240]  }
0x5e: {  	v28 =	vld [tilespmem:$0x33C0];
	_ =	sdelay $0x3  }
0x5f: {  	[tilespmem:$0x3500] =	vst v27  }
0x60: {  	s25 =	sadd.s32 $0x2000, s6;
	[tilespmem:$0x3510] =	vst v28  }
0x61: {  	[spmem:s25] =	stream.linear.scatter [tilespmem:s4], [sflag:$0x1], $0x80, $0x38;
	[tilespmem:$0x3800] =	vst v63  }
0x62: {  	_ =	swait.ge [sflag:s3], $0x80  }
0x63: {  	[sflag:s3] =	ssyncset.done $0x0  }
0x64: {  	[sflag:s3] =	ssyncadd.s32 $0xFFFFFF80  }
0x65: {  	v29 =	vld [tilespmem:$0x3250]  }
0x66: {  	v30 =	vld [tilespmem:$0x33D0];
	_ =	sdelay $0x3  }
0x67: {  	[tilespmem:$0x3500] =	vst v29  }
0x68: {  	s26 =	sadd.s32 $0x2800, s6;
	[tilespmem:$0x3510] =	vst v30  }
0x69: {  	[spmem:s26] =	stream.linear.scatter [tilespmem:s4], [sflag:$0x1], $0x80, $0x38;
	[tilespmem:$0x3800] =	vst v63  }
0x6a: {  	_ =	swait.ge [sflag:s3], $0x80  }
0x6b: {  	[sflag:s3] =	ssyncset.done $0x0  }
0x6c: {  	[sflag:s3] =	ssyncadd.s32 $0xFFFFFF80  }
0x6d: {  	v31 =	vld [tilespmem:$0x3260]  }
0x6e: {  	v32 =	vld [tilespmem:$0x33E0];
	_ =	sdelay $0x3  }
0x6f: {  	[tilespmem:$0x3500] =	vst v31  }
0x70: {  	s28 =	sadd.s32 $0x3000, s6;
	[tilespmem:$0x3510] =	vst v32  }
0x71: {  	[spmem:s28] =	stream.linear.scatter [tilespmem:s4], [sflag:$0x1], $0x80, $0x38;
	[tilespmem:$0x3800] =	vst v63  }
0x72: {  	_ =	swait.ge [sflag:s3], $0x80  }
0x73: {  	[sflag:s3] =	ssyncset.done $0x0  }
0x74: {  	[sflag:s3] =	ssyncadd.s32 $0xFFFFFF80  }
0x75: {  	v33 =	vld [tilespmem:$0x3270]  }
0x76: {  	v34 =	vld [tilespmem:$0x33F0];
	_ =	sdelay $0x3  }
0x77: {  	[tilespmem:$0x3500] =	vst v33  }
0x78: {  	s29 =	sadd.s32 $0x3800, s6;
	[tilespmem:$0x3510] =	vst v34  }
0x79: {  	[spmem:s29] =	stream.linear.scatter [tilespmem:s4], [sflag:$0x1], $0x80, $0x38;
	[tilespmem:$0x3800] =	vst v63  }
0x7a: {  	_ =	swait.ge [sflag:s3], $0x80  }
0x7b: {  	[sflag:s3] =	ssyncset.done $0x0  }
0x7c: {  	[sflag:s3] =	ssyncadd.s32 $0xFFFFFF80  }
0x7d: {  	v35 =	vld [tilespmem:$0x3280]  }
0x7e: {  	v36 =	vld [tilespmem:$0x3400];
	_ =	sdelay $0x3  }
0x7f: {  	[tilespmem:$0x3500] =	vst v35  }
0x80: {  	s30 =	sadd.s32 $0x4000, s6;
	[tilespmem:$0x3510] =	vst v36  }
0x81: {  	[spmem:s30] =	stream.linear.scatter [tilespmem:s4], [sflag:$0x1], $0x80, $0x38;
	[tilespmem:$0x3800] =	vst v63  }
0x82: {  	_ =	swait.ge [sflag:s3], $0x80  }
0x83: {  	[sflag:s3] =	ssyncset.done $0x0  }
0x84: {  	[sflag:s3] =	ssyncadd.s32 $0xFFFFFF80  }
0x85: {  	v37 =	vld [tilespmem:$0x3290]  }
0x86: {  	v38 =	vld [tilespmem:$0x3410];
	_ =	sdelay $0x3  }
0x87: {  	[tilespmem:$0x3500] =	vst v37  }
0x88: {  	s31 =	sadd.s32 $0x4800, s6;
	[tilespmem:$0x3510] =	vst v38  }
0x89: {  	[spmem:s31] =	stream.linear.scatter [tilespmem:s4], [sflag:$0x1], $0x80, $0x38;
	[tilespmem:$0x3800] =	vst v63  }
0x8a: {  	_ =	swait.ge [sflag:s3], $0x80  }
0x8b: {  	[sflag:s3] =	ssyncset.done $0x0  }
0x8c: {  	[sflag:s3] =	ssyncadd.s32 $0xFFFFFF80  }
0x8d: {  	v39 =	vld [tilespmem:$0x32A0]  }
0x8e: {  	v40 =	vld [tilespmem:$0x3420];
	_ =	sdelay $0x3  }
0x8f: {  	[tilespmem:$0x3500] =	vst v39  }
0x90: {  	s8 =	sadd.s32 $0x5000, s6;
	[tilespmem:$0x3510] =	vst v40  }
0x91: {  	[spmem:s8] =	stream.linear.scatter [tilespmem:s4], [sflag:$0x1], $0x80, $0x38;
	[tilespmem:$0x3800] =	vst v63  }
0x92: {  	_ =	swait.ge [sflag:s3], $0x80  }
0x93: {  	[sflag:s3] =	ssyncset.done $0x0  }
0x94: {  	[sflag:s3] =	ssyncadd.s32 $0xFFFFFF80  }
0x95: {  	v41 =	vld [tilespmem:$0x32B0]  }
0x96: {  	v42 =	vld [tilespmem:$0x3430];
	_ =	sdelay $0x3  }
0x97: {  	[tilespmem:$0x3500] =	vst v41  }
0x98: {  	s9 =	sadd.s32 $0x5800, s6;
	[tilespmem:$0x3510] =	vst v42  }
0x99: {  	[spmem:s9] =	stream.linear.scatter [tilespmem:s4], [sflag:$0x1], $0x80, $0x38;
	[tilespmem:$0x3800] =	vst v63  }
0x9a: {  	_ =	swait.ge [sflag:s3], $0x80  }
0x9b: {  	[sflag:s3] =	ssyncset.done $0x0  }
0x9c: {  	[sflag:s3] =	ssyncadd.s32 $0xFFFFFF80  }
0x9d: {  	v43 =	vld [tilespmem:$0x32C0]  }
0x9e: {  	v44 =	vld [tilespmem:$0x3440];
	_ =	sdelay $0x3  }
0x9f: {  	[tilespmem:$0x3500] =	vst v43  }
0xa0: {  	s10 =	sadd.s32 $0x6000, s6;
	[tilespmem:$0x3510] =	vst v44  }
0xa1: {  	[spmem:s10] =	stream.linear.scatter [tilespmem:s4], [sflag:$0x1], $0x80, $0x38;
	[tilespmem:$0x3800] =	vst v63  }
0xa2: {  	_ =	swait.ge [sflag:s3], $0x80  }
0xa3: {  	[sflag:s3] =	ssyncset.done $0x0  }
0xa4: {  	[sflag:s3] =	ssyncadd.s32 $0xFFFFFF80  }
0xa5: {  	v45 =	vld [tilespmem:$0x32D0]  }
0xa6: {  	v46 =	vld [tilespmem:$0x3450];
	_ =	sdelay $0x3  }
0xa7: {  	[tilespmem:$0x3500] =	vst v45  }
0xa8: {  	s11 =	sadd.s32 $0x6800, s6;
	[tilespmem:$0x3510] =	vst v46  }
0xa9: {  	[spmem:s11] =	stream.linear.scatter [tilespmem:s4], [sflag:$0x1], $0x80, $0x38;
	[tilespmem:$0x3800] =	vst v63  }
0xaa: {  	_ =	swait.ge [sflag:s3], $0x80  }
0xab: {  	[sflag:s3] =	ssyncset.done $0x0  }
0xac: {  	[sflag:s3] =	ssyncadd.s32 $0xFFFFFF80  }
0xad: {  	v47 =	vld [tilespmem:$0x32E0]  }
0xae: {  	v48 =	vld [tilespmem:$0x3460];
	_ =	sdelay $0x3  }
0xaf: {  	[tilespmem:$0x3500] =	vst v47  }
0xb0: {  	s12 =	sadd.s32 $0x7000, s6;
	[tilespmem:$0x3510] =	vst v48  }
0xb1: {  	[spmem:s12] =	stream.linear.scatter [tilespmem:s4], [sflag:$0x1], $0x80, $0x38;
	[tilespmem:$0x3800] =	vst v63  }
0xb2: {  	_ =	swait.ge [sflag:s3], $0x80  }
0xb3: {  	[sflag:s3] =	ssyncset.done $0x0  }
0xb4: {  	[sflag:s3] =	ssyncadd.s32 $0xFFFFFF80  }
0xb5: {  	v49 =	vld [tilespmem:$0x32F0]  }
0xb6: {  	v50 =	vld [tilespmem:$0x3470];
	_ =	sdelay $0x3  }
0xb7: {  	[tilespmem:$0x3500] =	vst v49  }
0xb8: {  	s6 =	sadd.s32 $0x7800, s6;
	[tilespmem:$0x3510] =	vst v50  }
0xb9: {  	[spmem:s6] =	stream.linear.scatter [tilespmem:s4], [sflag:$0x1], $0x80, $0x38;
	[tilespmem:$0x3800] =	vst v63  }
0xba: {  	_ =	swait.ge [sflag:s3], $0x80  }
0xbb: {  	[sflag:s3] =	ssyncset.done $0x0  }
0xbc: {  	s13 =	sshll.u32 s1, $0xB;
	[sflag:s3] =	ssyncadd.s32 $0xFFFFFF80  }
0xbd: {  	s14 =	sadd.s32 s13, s5;
	[bflag:$0x0] =	sbarrier.arrive $0xFFFF  }
0xbe: {  	[tilespmem:s4], [sflag:$0x1] =	stream.linear.gather [spmem:s14], $0x80, $0x38;
	[tilespmem:$0x3800] =	vst v63  }
0xbf: {  	_ =	swait.ge [sflag:s3], $0x80  }
0xc0: {  	[sflag:s3] =	ssyncset.done $0x0  }
0xc1: {  	[sflag:s3] =	ssyncadd.s32 $0xFFFFFF80  }
0xc2: {  	s6 =	sadd.s32 $0x80, s14;
	v51 =	vld [tilespmem:$0x3500]  }
0xc3: {  	v52 =	vld [tilespmem:$0x3510];
	[tilespmem:s4], [sflag:$0x1] =	stream.linear.gather [spmem:s6], $0x80, $0x38  }
0xc4: {  	_ =	swait.ge [sflag:s3], $0x80  }
0xc5: {  	[sflag:s3] =	ssyncset.done $0x0  }
0xc6: {  	[sflag:s3] =	ssyncadd.s32 $0xFFFFFF80  }
0xc7: {  	s15 =	sadd.s32 $0x100, s14;
	v53 =	vld [tilespmem:$0x3500]  }
0xc8: {  	v3 =	vld [tilespmem:$0x3510];
	[tilespmem:s4], [sflag:$0x1] =	stream.linear.gather [spmem:s15], $0x80, $0x38  }
0xc9: {  	_ =	swait.ge [sflag:s3], $0x80  }
0xca: {  	[sflag:s3] =	ssyncset.done $0x0  }
0xcb: {  	[sflag:s3] =	ssyncadd.s32 $0xFFFFFF80  }
0xcc: {  	s16 =	sadd.s32 $0x180, s14;
	v4 =	vld [tilespmem:$0x3500]  }
0xcd: {  	v5 =	vld [tilespmem:$0x3510];
	[tilespmem:s4], [sflag:$0x1] =	stream.linear.gather [spmem:s16], $0x80, $0x38  }
0xce: {  	_ =	swait.ge [sflag:s3], $0x80  }
0xcf: {  	[sflag:s3] =	ssyncset.done $0x0  }
0xd0: {  	[sflag:s3] =	ssyncadd.s32 $0xFFFFFF80  }
0xd1: {  	s17 =	sadd.s32 $0x200, s14;
	v6 =	vld [tilespmem:$0x3500]  }
0xd2: {  	v7 =	vld [tilespmem:$0x3510];
	[tilespmem:s4], [sflag:$0x1] =	stream.linear.gather [spmem:s17], $0x80, $0x38  }
0xd3: {  	_ =	swait.ge [sflag:s3], $0x80  }
0xd4: {  	[sflag:s3] =	ssyncset.done $0x0  }
0xd5: {  	[sflag:s3] =	ssyncadd.s32 $0xFFFFFF80  }
0xd6: {  	s18 =	sadd.s32 $0x280, s14;
	v8 =	vld [tilespmem:$0x3500]  }
0xd7: {  	v9 =	vld [tilespmem:$0x3510];
	[tilespmem:s4], [sflag:$0x1] =	stream.linear.gather [spmem:s18], $0x80, $0x38  }
0xd8: {  	_ =	swait.ge [sflag:s3], $0x80  }
0xd9: {  	[sflag:s3] =	ssyncset.done $0x0  }
0xda: {  	[sflag:s3] =	ssyncadd.s32 $0xFFFFFF80  }
0xdb: {  	s19 =	sadd.s32 $0x300, s14;
	v10 =	vld [tilespmem:$0x3500]  }
0xdc: {  	v11 =	vld [tilespmem:$0x3510];
	[tilespmem:s4], [sflag:$0x1] =	stream.linear.gather [spmem:s19], $0x80, $0x38  }
0xdd: {  	_ =	swait.ge [sflag:s3], $0x80  }
0xde: {  	[sflag:s3] =	ssyncset.done $0x0  }
0xdf: {  	[sflag:s3] =	ssyncadd.s32 $0xFFFFFF80  }
0xe0: {  	s20 =	sadd.s32 $0x380, s14;
	v12 =	vld [tilespmem:$0x3500]  }
0xe1: {  	v13 =	vld [tilespmem:$0x3510];
	[tilespmem:s4], [sflag:$0x1] =	stream.linear.gather [spmem:s20], $0x80, $0x38  }
0xe2: {  	_ =	swait.ge [sflag:s3], $0x80  }
0xe3: {  	[sflag:s3] =	ssyncset.done $0x0  }
0xe4: {  	[sflag:s3] =	ssyncadd.s32 $0xFFFFFF80  }
0xe5: {  	s21 =	sadd.s32 $0x400, s14;
	v14 =	vld [tilespmem:$0x3500]  }
0xe6: {  	v15 =	vld [tilespmem:$0x3510];
	[tilespmem:s4], [sflag:$0x1] =	stream.linear.gather [spmem:s21], $0x80, $0x38  }
0xe7: {  	_ =	swait.ge [sflag:s3], $0x80  }
0xe8: {  	[sflag:s3] =	ssyncset.done $0x0  }
0xe9: {  	[sflag:s3] =	ssyncadd.s32 $0xFFFFFF80  }
0xea: {  	s22 =	sadd.s32 $0x480, s14;
	v16 =	vld [tilespmem:$0x3500]  }
0xeb: {  	v17 =	vld [tilespmem:$0x3510];
	[tilespmem:s4], [sflag:$0x1] =	stream.linear.gather [spmem:s22], $0x80, $0x38  }
0xec: {  	_ =	swait.ge [sflag:s3], $0x80  }
0xed: {  	[sflag:s3] =	ssyncset.done $0x0  }
0xee: {  	[sflag:s3] =	ssyncadd.s32 $0xFFFFFF80  }
0xef: {  	s23 =	sadd.s32 $0x500, s14;
	v18 =	vld [tilespmem:$0x3500]  }
0xf0: {  	v19 =	vld [tilespmem:$0x3510];
	[tilespmem:s4], [sflag:$0x1] =	stream.linear.gather [spmem:s23], $0x80, $0x38  }
0xf1: {  	_ =	swait.ge [sflag:s3], $0x80  }
0xf2: {  	[sflag:s3] =	ssyncset.done $0x0  }
0xf3: {  	[sflag:s3] =	ssyncadd.s32 $0xFFFFFF80  }
0xf4: {  	s24 =	sadd.s32 $0x580, s14;
	v1 =	vadd.f32 $0.0e+00, v52;
	v20 =	vld [tilespmem:$0x3500]  }
0xf5: {  	v21 =	vld [tilespmem:$0x3510];
	[tilespmem:s4], [sflag:$0x1] =	stream.linear.gather [spmem:s24], $0x80, $0x38  }
0xf6: {  	v1 =	vadd.f32 v3, v1;
	_ =	swait.ge [sflag:s3], $0x80  }
0xf7: {  	[sflag:s3] =	ssyncset.done $0x0  }
0xf8: {  	v1 =	vadd.f32 v5, v1;
	[sflag:s3] =	ssyncadd.s32 $0xFFFFFF80  }
0xf9: {  	s25 =	sadd.s32 $0x600, s14;
	v22 =	vld [tilespmem:$0x3500]  }
0xfa: {  	v1 =	vadd.f32 v7, v1;
	v54 =	vld [tilespmem:$0x3510];
	[tilespmem:s4], [sflag:$0x1] =	stream.linear.gather [spmem:s25], $0x80, $0x38  }
0xfb: {  	_ =	swait.ge [sflag:s3], $0x80  }
0xfc: {  	v1 =	vadd.f32 v9, v1;
	[sflag:s3] =	ssyncset.done $0x0  }
0xfd: {  	[sflag:s3] =	ssyncadd.s32 $0xFFFFFF80  }
0xfe: {  	s26 =	sadd.s32 $0x680, s14;
	v1 =	vadd.f32 v11, v1;
	v55 =	vld [tilespmem:$0x3500]  }
0xff: {  	v0 =	vadd.f32 $0.0e+00, v51;
	v56 =	vld [tilespmem:$0x3510];
	[tilespmem:s4], [sflag:$0x1] =	stream.linear.gather [spmem:s26], $0x80, $0x38  }
0x100: {  	v1 =	vadd.f32 v13, v1;
	_ =	swait.ge [sflag:s3], $0x80  }
0x101: {  	v0 =	vadd.f32 v53, v0;
	[sflag:s3] =	ssyncset.done $0x0  }
0x102: {  	v1 =	vadd.f32 v15, v1;
	[sflag:s3] =	ssyncadd.s32 $0xFFFFFF80  }
0x103: {  	s28 =	sadd.s32 $0x700, s14;
	v0 =	vadd.f32 v4, v0;
	v57 =	vld [tilespmem:$0x3500]  }
0x104: {  	v1 =	vadd.f32 v17, v1;
	v58 =	vld [tilespmem:$0x3510];
	[tilespmem:s4], [sflag:$0x1] =	stream.linear.gather [spmem:s28], $0x80, $0x38  }
0x105: {  	v0 =	vadd.f32 v6, v0;
	_ =	swait.ge [sflag:s3], $0x80  }
0x106: {  	v1 =	vadd.f32 v19, v1;
	[sflag:s3] =	ssyncset.done $0x0  }
0x107: {  	v0 =	vadd.f32 v8, v0;
	[sflag:s3] =	ssyncadd.s32 $0xFFFFFF80  }
0x108: {  	s5 =	sadd.s32 $0x780, s14;
	v1 =	vadd.f32 v21, v1;
	v59 =	vld [tilespmem:$0x3500]  }
0x109: {  	v0 =	vadd.f32 v10, v0;
	v60 =	vld [tilespmem:$0x3510];
	[tilespmem:s4], [sflag:$0x1] =	stream.linear.gather [spmem:s5], $0x80, $0x38  }
0x10a: {  	v1 =	vadd.f32 v54, v1;
	_ =	swait.ge [sflag:s3], $0x80  }
0x10b: {  	v0 =	vadd.f32 v12, v0;
	[sflag:s3] =	ssyncset.done $0x0  }
0x10c: {  	v1 =	vadd.f32 v56, v1;
	[sflag:s3] =	ssyncadd.s32 $0xFFFFFF80  }
0x10d: {  	v0 =	vadd.f32 v14, v0;
	v61 =	vld [tilespmem:$0x3510]  }
0x10e: {  	v1 =	vadd.f32 v58, v1  }
0x10f: {  	v0 =	vadd.f32 v16, v0  }
0x110: {  	v1 =	vadd.f32 v60, v1  }
0x111: {  	v0 =	vadd.f32 v18, v0  }
0x112: {  	v1 =	vadd.f32 v61, v1  }
0x113: {  	v0 =	vadd.f32 v20, v0  }
0x114: {  	v1 =	vmax.f32 v1, $1.000000000e+00  }
0x115: {  	v0 =	vadd.f32 v22, v0;
	(erf) = vrcp.f32 v1;
	_ =	sdelay $0x1  }
0x116: {  	v0 =	vadd.f32 v55, v0  }
0x117: {  	v62 =	vld [tilespmem:$0x3500]  }
0x118: {  	v0 =	vadd.f32 v57, v0;
	_ =	sdelay $0x1  }
0x119: {  	v0 =	vadd.f32 v59, v0;
	_ =	sdelay $0x1  }
0x11a: {  	v0 =	vadd.f32 v62, v0  }
0x11b: {  	v63 =	vpop (erf)  }
0x11c: {  	v0 =	vmul.f32 v63, v0  }
0x11d: {  	s29 =	sshll.u32 s1, $0x1  }
0x11e: {  	s2 =	sadd.s32 s2, s29;
	s30 =	simm.s32 $0x0;
	s31 =	simm.s32 $0x3580;
	[tilespmem:$0x3580] =	vst v0  }
0x11f: {  	[hbm4b:s2+s30] =	stream.linear.scatter [tilespmem:s31], [sflag:$0x1], $0x10, $0x38;
	[tilespmem:$0x3800] =	vst v63  }
0x120: {  	_ =	swait.ge [sflag:s3], $0x10  }
0x121: {  	[sflag:s3] =	ssyncset.done $0x0  }
0x122: {  	[sflag:s3] =	ssyncadd.s32 $0xFFFFFFF0  }
0x123: {  	_ =	sfence.sel $0x180000  }
0x124: {  	[bflag:$0x0] =	sbarrier.arrive $0xFFFF  }
0x125: {  	p0 =	sne.s32 s1, $0x0;
	_ =	strace $0x90000047  }
0x126: {  	s0 =	sadd.s32 @!p0 $0x100000, s0;
	[bflag:$0x2] =	sbarrier.arrive $0xFFFF  }
0x127: {  	[sflag:s0] =	ssyncadd.tile.s32 @!p0 $0x1;
	_ =	shalt  }
.Lfunc_end2:
_tile_overlayer_lowered:
.L_overlay_start_2:
0x128: {  	(tag) =	ssettag $0x2  }
0x129: {  	s0 =	rddreg [dreg:$0x0];
	s2 =	stileid.u32  }
0x12a: {  	s1 =	rddreg [dreg:$0x1];
	p0 =	sne.s32 s2, $0x0  }
0x12b: {  	s3 =	rddreg [dreg:$0x2];
	[bflag:$0x3] =	sbarrier.arrive $0xFFFF;
	s2 =	simm.s32 @!p0 $0x1C01  }
0x12c: {  	[timem:s3], [sflag:s2] =	dma.local @!p0 [hbm:s0], s1  }
0x12d: {  	s0 =	simm.s32 @!p0 $0x1  }
0x12e: {  	_ =	swait.ge @!p0 [sflag:s0], s1  }
0x12f: {  	s1 =	ssub.s32 @!p0 $0x0, s1;
	[sflag:s0] =	ssyncset.done @!p0 $0x0  }
0x130: {  	[sflag:s0] =	ssyncadd.s32 @!p0 s1  }
0x131: {  	[bflag:$0x3] =	sbarrier.arrive $0xFFFF  }
0x132: {  	_ =	shalt  }

</sc_bundles>
